<compile_context>
chip_gen: v7x
topology: tpu7x:2x2x1
jax: 0.10.2.dev20260603
libtpu: 0.0.44.dev20260713+nightly
codegen_flags: <defaults>
</compile_context>

<pallas_src>
import functools

import jax
import jax.numpy as jnp
from jax import lax
from jax.experimental import pallas as pl
from jax.experimental.pallas import tpu as pltpu
from jax.experimental.pallas import tpu_sc as plsc

NPOINT = 1024
NSAMPLE = 32
B = 8
N = 4096
CT = 128
ONE_COL = 67
NPAIR = B * NPOINT * NSAMPLE
NQ = B * NPOINT



def _fps_pallas_kernel(p_ref, c_ref):
    _, b, n = p_ref.shape
    x = p_ref[0]
    y = p_ref[1]
    z = p_ref[2]
    iota = jax.lax.broadcasted_iota(jnp.int32, (b, n), 1)
    iota_p = jax.lax.broadcasted_iota(jnp.int32, (b, NPOINT), 1)

    def body(i, carry):
        dists, far, cx, cy, cz = carry
        onehot = iota == far
        fx = jnp.sum(jnp.where(onehot, x, 0.0), axis=1, keepdims=True)
        fy = jnp.sum(jnp.where(onehot, y, 0.0), axis=1, keepdims=True)
        fz = jnp.sum(jnp.where(onehot, z, 0.0), axis=1, keepdims=True)
        slot = iota_p == i
        cx = jnp.where(slot, fx, cx)
        cy = jnp.where(slot, fy, cy)
        cz = jnp.where(slot, fz, cz)
        d = (x - fx) ** 2 + (y - fy) ** 2 + (z - fz) ** 2
        dists = jnp.minimum(dists, d)
        m = jnp.max(dists, axis=1, keepdims=True)
        far = jnp.min(jnp.where(dists == m, iota, n), axis=1, keepdims=True)
        return dists, far, cx, cy, cz

    dists0 = jnp.full((b, n), jnp.inf, dtype=jnp.float32)
    far0 = jnp.zeros((b, 1), dtype=jnp.int32)
    c0 = jnp.zeros((b, NPOINT), dtype=jnp.float32)
    _, _, cx, cy, cz = jax.lax.fori_loop(
        0, NPOINT, body, (dists0, far0, c0, c0, c0))
    c_ref[0] = cx
    c_ref[1] = cy
    c_ref[2] = cz


def _fps_new_xyz(xyz, interpret=False):
    b, n, _ = xyz.shape
    planes = jnp.transpose(xyz, (2, 0, 1))
    c = pl.pallas_call(
        _fps_pallas_kernel,
        out_shape=jax.ShapeDtypeStruct((3, b, NPOINT), jnp.float32),
        interpret=interpret,
    )(planes)
    return jnp.transpose(c, (1, 2, 0))



def _square_distance(src, dst):
    dist = -2.0 * jnp.matmul(src, jnp.transpose(dst, (0, 2, 1)))
    dist = dist + jnp.sum(src ** 2, axis=-1)[:, :, None]
    dist = dist + jnp.sum(dst ** 2, axis=-1)[:, None, :]
    return dist


def _knn_idx(xyz, new_xyz):
    sqrdists = _square_distance(new_xyz, xyz)
    _, idx = jax.lax.top_k(-sqrdists, NSAMPLE)
    return idx



def _sc_gather(tab, gidx2d):
    mesh = plsc.VectorSubcoreMesh(core_axis_name="c", subcore_axis_name="s")

    @functools.partial(
        pl.kernel, mesh=mesh,
        out_type=jax.ShapeDtypeStruct((NPAIR, CT), jnp.float32),
        scratch_types=[
            pltpu.VMEM((128,), jnp.int32),
            pltpu.VMEM((128, CT), jnp.float32),
            pltpu.SemaphoreType.DMA,
        ],
    )
    def k(tab_hbm, idx_hbm, out_hbm, idx_v, rows_v, sem):
        wid = lax.axis_index("s") * 2 + lax.axis_index("c")

        def body(i, _):
            row = wid * 64 + i
            pltpu.sync_copy(idx_hbm.at[row], idx_v)
            pltpu.async_copy(tab_hbm.at[idx_v], rows_v, sem).wait()
            pltpu.sync_copy(rows_v, out_hbm.at[pl.ds(row * 128, 128)])
            return 0

        jax.lax.fori_loop(0, 64, body, 0, unroll=False)

    return k(tab, gidx2d)



def _center(g_blk, nx_blk):
    s, q, _ = g_blk.shape
    x = g_blk.reshape(s * q, CT)
    r0 = jax.lax.broadcasted_iota(jnp.int32, (s * q, q), 0)
    r1 = jax.lax.broadcasted_iota(jnp.int32, (s * q, q), 1)
    rmat = (lax.rem(r0, q) == r1).astype(jnp.float32)
    qpad = jnp.dot(rmat, nx_blk, preferred_element_type=jnp.float32)
    return x - qpad


def _m1_kernel(g_ref, nx_ref, gram_ref):
    xc = _center(g_ref[...], nx_ref[...])
    g = lax.dot_general(xc, xc, (((0,), (0,)), ((), ())),
                        preferred_element_type=jnp.float32)
    @pl.when(pl.program_id(0) == 0)
    def _():
        gram_ref[...] = jnp.zeros_like(gram_ref)
    gram_ref[...] += g


def _m2_kernel(g_ref, nx_ref, w_ref, x2_ref, gram_ref, s_ref):
    xc = _center(g_ref[...], nx_ref[...])
    y = lax.dot_general(xc, w_ref[...], (((1,), (1,)), ((), ())),
                        preferred_element_type=jnp.float32)
    main = y[:, 0:64]
    short = y[:, 64:128]
    x2 = main * jax.nn.sigmoid(main) + short
    s, q, _ = g_ref.shape
    x2_ref[...] = x2.reshape(s, q, 64)
    g2 = lax.dot_general(x2, x2, (((0,), (0,)), ((), ())),
                         preferred_element_type=jnp.float32)
    s2 = jnp.broadcast_to(jnp.sum(x2, axis=0, keepdims=True), (8, 64))
    @pl.when(pl.program_id(0) == 0)
    def _():
        gram_ref[...] = jnp.zeros_like(gram_ref)
        s_ref[...] = jnp.zeros_like(s_ref)
    gram_ref[...] += g2
    s_ref[...] += s2


def _m3_kernel(x2_ref, w_ref, b_ref, o_ref):
    s, q, _ = x2_ref.shape
    x2 = x2_ref[...].reshape(s * q, 64)
    yt = lax.dot_general(w_ref[...], x2, (((1,), (1,)), ((), ())),
                         preferred_element_type=jnp.float32)
    yt = yt + b_ref[:, 0:1]
    main = yt[0:128]
    short = yt[128:256]
    z = main * jax.nn.sigmoid(main) + short
    o_ref[...] = jnp.max(z.reshape(128, s, q), axis=1)


def _fold_affine(mean_vec, cov, w, bias, gamma, beta, eps=1e-5):
    mean_y = w @ mean_vec + bias
    var_y = jnp.einsum('oc,cd,od->o', w, cov, w)
    s = gamma / jnp.sqrt(var_y + eps)
    return s[:, None] * w, beta + s * (bias - mean_y)


def _mlp(grouped, new_xyz, params, interpret=False):
    (b1_w, b1_b, b1_g, b1_beta, b1_sw, b1_sb, b1_sg, b1_sbeta,
     b2_w, b2_b, b2_g, b2_beta, b2_sw, b2_sb, b2_sg, b2_sbeta) = params
    g3 = grouped.reshape(NSAMPLE, NQ, CT)
    nxpad = jnp.pad(new_xyz.reshape(NQ, 3), ((0, 0), (0, CT - 3)))

    nblk1 = 32
    qb1 = NQ // nblk1
    gram1 = pl.pallas_call(
        _m1_kernel,
        grid=(nblk1,),
        in_specs=[
            pl.BlockSpec((NSAMPLE, qb1, CT), lambda i: (0, i, 0)),
            pl.BlockSpec((qb1, CT), lambda i: (i, 0)),
        ],
        out_specs=pl.BlockSpec((CT, CT), lambda i: (0, 0)),
        out_shape=jax.ShapeDtypeStruct((CT, CT), jnp.float32),
        interpret=interpret,
    )(g3, nxpad)

    m = jnp.float32(NPAIR)
    mean1 = gram1[ONE_COL] / m
    cov1 = gram1 / m - jnp.outer(mean1, mean1)
    w1e = jnp.zeros((64, CT), jnp.float32).at[:, 0:ONE_COL].set(b1_w)
    w1se = jnp.zeros((64, CT), jnp.float32).at[:, 0:ONE_COL].set(b1_sw)
    a1, c1 = _fold_affine(mean1, cov1, w1e, b1_b, b1_g, b1_beta)
    a1s, c1s = _fold_affine(mean1, cov1, w1se, b1_sb, b1_sg, b1_sbeta)
    w1cat = jnp.concatenate([a1, a1s], axis=0)
    w1cat = w1cat.at[:, ONE_COL].add(jnp.concatenate([c1, c1s]))

    x2, gram2, s2 = pl.pallas_call(
        _m2_kernel,
        grid=(nblk1,),
        in_specs=[
            pl.BlockSpec((NSAMPLE, qb1, CT), lambda i: (0, i, 0)),
            pl.BlockSpec((qb1, CT), lambda i: (i, 0)),
            pl.BlockSpec((128, CT), lambda i: (0, 0)),
        ],
        out_specs=[
            pl.BlockSpec((NSAMPLE, qb1, 64), lambda i: (0, i, 0)),
            pl.BlockSpec((64, 64), lambda i: (0, 0)),
            pl.BlockSpec((8, 64), lambda i: (0, 0)),
        ],
        out_shape=[
            jax.ShapeDtypeStruct((NSAMPLE, NQ, 64), jnp.float32),
            jax.ShapeDtypeStruct((64, 64), jnp.float32),
            jax.ShapeDtypeStruct((8, 64), jnp.float32),
        ],
        interpret=interpret,
    )(g3, nxpad, w1cat)

    mean2 = s2[0] / m
    cov2 = gram2 / m - jnp.outer(mean2, mean2)
    a2, c2 = _fold_affine(mean2, cov2, b2_w, b2_b, b2_g, b2_beta)
    a2s, c2s = _fold_affine(mean2, cov2, b2_sw, b2_sb, b2_sg, b2_sbeta)
    w2cat = jnp.concatenate([a2, a2s], axis=0)
    b2cat = jnp.concatenate([c2, c2s])
    b2pad = jnp.broadcast_to(b2cat[:, None], (256, 8))

    nblk3 = 64
    qb3 = NQ // nblk3
    out = pl.pallas_call(
        _m3_kernel,
        grid=(nblk3,),
        in_specs=[
            pl.BlockSpec((NSAMPLE, qb3, 64), lambda i: (0, i, 0)),
            pl.BlockSpec((256, 64), lambda i: (0, 0)),
            pl.BlockSpec((256, 8), lambda i: (0, 0)),
        ],
        out_specs=pl.BlockSpec((128, qb3), lambda i: (0, i)),
        out_shape=jax.ShapeDtypeStruct((128, NQ), jnp.float32),
        interpret=interpret,
    )(x2, w2cat, b2pad)
    return out.reshape(128, B, NPOINT).transpose(1, 0, 2)


def kernel(xyz, points, b1_w, b1_b, b1_g, b1_beta, b1_sw, b1_sb, b1_sg, b1_sbeta, b2_w, b2_b, b2_g, b2_beta, b2_sw, b2_sb, b2_sg, b2_sbeta):
    new_xyz = _fps_new_xyz(xyz)
    idx = _knn_idx(xyz, new_xyz)
    ones = jnp.ones((B, N, 1), jnp.float32)
    tab = jnp.concatenate([xyz, points, ones], axis=-1)
    tab = jnp.pad(tab, ((0, 0), (0, 0), (0, CT - 68))).reshape(B * N, CT)
    gidx = (idx + (jnp.arange(B, dtype=jnp.int32) * N)[:, None, None])
    gidx = gidx.transpose(2, 0, 1).reshape(NPAIR // 128, 128).astype(jnp.int32)
    grouped = _sc_gather(tab, gidx)
    params = (b1_w, b1_b, b1_g, b1_beta, b1_sw, b1_sb, b1_sg, b1_sbeta,
              b2_w, b2_b, b2_g, b2_beta, b2_sw, b2_sb, b2_sg, b2_sbeta)
    new_points = _mlp(grouped, new_xyz, params)
    return (new_xyz, new_points)

# --- scband reference (transcript-rebuilt; emitter-appended) ---
"""Pipeline reference for scband-little-sa-33509334843924 (READ-ONLY COPY).

The authoritative reference and input builder live on the scoring server;
editing this copy changes nothing except your own understanding.
"""

import jax, jax.numpy as jnp
import numpy as np

NPOINT = 1024
NSAMPLE = 32

def _fps_single(xyz):
    N = xyz.shape[0]
    def body(i, carry):
        dists, farthest, idxs = carry
        idxs = idxs.at[i].set(farthest)
        centroid = xyz[farthest]
        d = jnp.sum((xyz - centroid) ** 2, axis=-1)
        dists = jnp.minimum(dists, d)
        farthest = jnp.argmax(dists).astype(jnp.int32)
        return (dists, farthest, idxs)
    dists0 = jnp.full((N,), jnp.inf, dtype=xyz.dtype)
    idxs0 = jnp.zeros((NPOINT,), dtype=jnp.int32)
    _, _, idxs = jax.lax.fori_loop(0, NPOINT, body, (dists0, jnp.int32(0), idxs0))
    return idxs

def farthest_point_sample(xyz):
    return jax.vmap(_fps_single)(xyz)

def index_points(points, idx):
    B = points.shape[0]
    batch_idx = jnp.arange(B).reshape((B,) + (1,) * (idx.ndim - 1))
    return points[batch_idx, idx]

def square_distance(src, dst):
    dist = -2.0 * jnp.matmul(src, jnp.transpose(dst, (0, 2, 1)))
    dist = dist + jnp.sum(src ** 2, axis=-1)[:, :, None]
    dist = dist + jnp.sum(dst ** 2, axis=-1)[:, None, :]
    return dist

def knn_point(nsample, xyz, new_xyz):
    sqrdists = square_distance(new_xyz, xyz)
    _, group_idx = jax.lax.top_k(-sqrdists, nsample)
    return group_idx

def conv1x1(x, w, b):
    return jnp.einsum('oc,bcns->bons', w, x) + b[None, :, None, None]

def batchnorm(x, g, beta, eps=1e-5):
    mean = jnp.mean(x, axis=(0, 2, 3), keepdims=True)
    var = jnp.var(x, axis=(0, 2, 3), keepdims=True)
    xhat = (x - mean) / jnp.sqrt(var + eps)
    return g[None, :, None, None] * xhat + beta[None, :, None, None]

def swish(x):
    return x * jax.nn.sigmoid(x)

def res_block(x, w, b, g, beta, sw, sb, sg, sbeta):
    residual = batchnorm(conv1x1(x, sw, sb), sg, sbeta)
    out = swish(batchnorm(conv1x1(x, w, b), g, beta))
    return out + residual

def _make_block_params(key, cin, cout):
    k1, k2 = jax.random.split(key)
    w = jax.random.normal(k1, (cout, cin), dtype=jnp.float32) / np.sqrt(cin)
    b = jnp.zeros((cout,), dtype=jnp.float32)
    g = jnp.ones((cout,), dtype=jnp.float32)
    beta = jnp.zeros((cout,), dtype=jnp.float32)
    sw = jax.random.normal(k2, (cout, cin), dtype=jnp.float32) / np.sqrt(cin)
    sb = jnp.zeros((cout,), dtype=jnp.float32)
    sg = jnp.ones((cout,), dtype=jnp.float32)
    sbeta = jnp.zeros((cout,), dtype=jnp.float32)
    return w, b, g, beta, sw, sb, sg, sbeta

def setup_inputs(seed: int = 0):
    key = jax.random.key(seed)
    k1, k2, k3, k4 = jax.random.split(key, 4)
    xyz = jax.random.normal(k1, (8, 4096, 3), dtype=jnp.float32)
    points = jax.random.normal(k2, (8, 4096, 64), dtype=jnp.float32)
    p1 = _make_block_params(k3, 67, 64)
    p2 = _make_block_params(k4, 64, 128)
    names1 = ['b1_w', 'b1_b', 'b1_g', 'b1_beta', 'b1_sw', 'b1_sb', 'b1_sg', 'b1_sbeta']
    names2 = ['b2_w', 'b2_b', 'b2_g', 'b2_beta', 'b2_sw', 'b2_sb', 'b2_sg', 'b2_sbeta']
    inp = {'xyz': xyz, 'points': points}
    inp.update(dict(zip(names1, p1)))
    inp.update(dict(zip(names2, p2)))
    return inp

def reference(xyz, points, b1_w, b1_b, b1_g, b1_beta, b1_sw, b1_sb, b1_sg, b1_sbeta, b2_w, b2_b, b2_g, b2_beta, b2_sw, b2_sb, b2_sg, b2_sbeta):
    fps_idx = farthest_point_sample(xyz)
    new_xyz = index_points(xyz, fps_idx)
    idx = knn_point(NSAMPLE, xyz, new_xyz)
    grouped_xyz = index_points(xyz, idx) - new_xyz[:, :, None, :]
    grouped_points = index_points(points, idx)
    grouped_points = jnp.concatenate([grouped_xyz, grouped_points], axis=-1)
    x = jnp.transpose(grouped_points, (0, 3, 2, 1))
    x = res_block(x, b1_w, b1_b, b1_g, b1_beta, b1_sw, b1_sb, b1_sg, b1_sbeta)
    x = res_block(x, b2_w, b2_b, b2_g, b2_beta, b2_sw, b2_sb, b2_sg, b2_sbeta)
    new_points = jnp.max(x, axis=2)
    return (new_xyz, new_points)

if __name__ == "__main__":
    import jax
    _d = setup_inputs()
    print(jax.jit(kernel)(*tuple(_d.values())))

</pallas_src>

<mosaic_0001>
#map = affine_map<(d0, d1) -> (0, 0)>
module attributes {stable_mosaic.version = 14 : i64} {
  func.func @k(%arg0: i32, %arg1: i32, %arg2: memref<32768x128xf32, #tpu.memory_space<hbm>>, %arg3: memref<2048x128xi32, #tpu.memory_space<hbm>>, %arg4: memref<262144x128xf32, #tpu.memory_space<hbm>>, %arg5: memref<128xi32, #tpu.memory_space<vmem>>, %arg6: memref<128x128xf32, #tpu.memory_space<vmem>>, %arg7: memref<!tpu.dma_semaphore, #tpu.memory_space<semaphore_mem>>) attributes {dimension_semantics = [#tpu.dimension_semantics<core_parallel>, #tpu.dimension_semantics<subcore_parallel>], iteration_bounds = array<i64: 2, 16>, scalar_prefetch = 0 : i64, scratch_operands = 3 : i64, tpu.core_type = #tpu.core_type<sc_vector_subcore>, window_params = [{transform_indices = #map}, {transform_indices = #map}, {transform_indices = #map}]} {
    %mul3A = arith.constant 2 : i32
    %mul3A_0 = arith.muli %arg1, %mul3A : i32
    %add3A = arith.addi %mul3A_0, %arg0 : i32
    %scan3A = arith.constant 0 : i32
    %scan3A_1 = arith.constant 0 : i32
    %scan3A_2 = arith.constant 64 : i32
    %scan3A_3 = arith.addi %scan3A_1, %scan3A_2 : i32
    %scan3A_4 = arith.constant 1 : i32
    %scan3A_5 = scf.for %scan3A_7 = %scan3A_1 to %scan3A_3 step %scan3A_4 iter_args(%scan3A_8 = %scan3A) -> (i32)  : i32 {
      %mul3A_9 = arith.constant 64 : i32
      %mul3A_10 = arith.muli %add3A, %mul3A_9 : i32
      %add3A_11 = arith.addi %mul3A_10, %scan3A_7 : i32
      "tpu.region"() ({
        %run_scoped3A = tpu.sem_alloc : memref<!tpu.dma_semaphore, #tpu.memory_space<semaphore_mem>>
        %dma_start3A_19 = arith.constant 0 : i32
        %dma_start3A_20 = tpu.memref_slice %arg3[%add3A_11, %dma_start3A_19] : memref<2048x128xi32, #tpu.memory_space<hbm>> -> memref<1x128xi32, #tpu.memory_space<hbm>>
        %dma_start3A_21 = tpu.memref_squeeze %dma_start3A_20 : memref<1x128xi32, #tpu.memory_space<hbm>> -> memref<128xi32, #tpu.memory_space<hbm>>
        %dma_start3A_22 = arith.constant 0 : i32
        %dma_start3A_23 = tpu.memref_slice %arg3[%add3A_11, %dma_start3A_22] : memref<2048x128xi32, #tpu.memory_space<hbm>> -> memref<1x128xi32, #tpu.memory_space<hbm>>
        %dma_start3A_24 = tpu.memref_squeeze %dma_start3A_23 : memref<1x128xi32, #tpu.memory_space<hbm>> -> memref<128xi32, #tpu.memory_space<hbm>>
        tpu.enqueue_dma source(%dma_start3A_24 : memref<128xi32, #tpu.memory_space<hbm>>) target(%arg5 : memref<128xi32, #tpu.memory_space<vmem>>) target_semaphore(%run_scoped3A : memref<!tpu.dma_semaphore, #tpu.memory_space<semaphore_mem>>)
        %dma_wait3A_25 = arith.constant 0 : i32
        %dma_wait3A_26 = tpu.memref_slice %arg3[%add3A_11, %dma_wait3A_25] : memref<2048x128xi32, #tpu.memory_space<hbm>> -> memref<1x128xi32, #tpu.memory_space<hbm>>
        %dma_wait3A_27 = tpu.memref_squeeze %dma_wait3A_26 : memref<1x128xi32, #tpu.memory_space<hbm>> -> memref<128xi32, #tpu.memory_space<hbm>>
        %dma_wait3A_28 = arith.constant 0 : i32
        %dma_wait3A_29 = tpu.memref_slice %arg3[%add3A_11, %dma_wait3A_28] : memref<2048x128xi32, #tpu.memory_space<hbm>> -> memref<1x128xi32, #tpu.memory_space<hbm>>
        %dma_wait3A_30 = tpu.memref_squeeze %dma_wait3A_29 : memref<1x128xi32, #tpu.memory_space<hbm>> -> memref<128xi32, #tpu.memory_space<hbm>>
        tpu.wait_dma2 semaphore(%run_scoped3A : memref<!tpu.dma_semaphore, #tpu.memory_space<semaphore_mem>>) src(%dma_wait3A_30 : memref<128xi32, #tpu.memory_space<hbm>>) dst(%arg5 : memref<128xi32, #tpu.memory_space<vmem>>)
        tpu.yield
      }) : () -> ()
      %dma_start3A = arith.constant 0 : i32
      %dma_start3A_12 = arith.constant 0 : i32
      %dma_start3A_13 = tpu.memref_slice %arg2[%dma_start3A, %dma_start3A_12] : memref<32768x128xf32, #tpu.memory_space<hbm>> -> memref<32768x128xf32, #tpu.memory_space<hbm>>
      tpu.enqueue_indirect_dma source(%dma_start3A_13 : memref<32768x128xf32, #tpu.memory_space<hbm>>) target(%arg6 : memref<128x128xf32, #tpu.memory_space<vmem>>) offsets(%arg5 : memref<128xi32, #tpu.memory_space<vmem>>) semaphore(%arg7 : memref<!tpu.dma_semaphore, #tpu.memory_space<semaphore_mem>>)
      %dma_wait3A = arith.constant 0 : i32
      %dma_wait3A_14 = arith.constant 0 : i32
      %dma_wait3A_15 = tpu.memref_slice %arg2[%dma_wait3A, %dma_wait3A_14] : memref<32768x128xf32, #tpu.memory_space<hbm>> -> memref<32768x128xf32, #tpu.memory_space<hbm>>
      tpu.wait_indirect_dma semaphore(%arg7 : memref<!tpu.dma_semaphore, #tpu.memory_space<semaphore_mem>>) src(%dma_wait3A_15 : memref<32768x128xf32, #tpu.memory_space<hbm>>) dst(%arg6 : memref<128x128xf32, #tpu.memory_space<vmem>>)
      %mul3A_16 = arith.constant 128 : i32
      %mul3A_17 = arith.muli %add3A_11, %mul3A_16 : i32
      "tpu.region"() ({
        %run_scoped3A = tpu.sem_alloc : memref<!tpu.dma_semaphore, #tpu.memory_space<semaphore_mem>>
        %dma_start3A_19 = arith.constant 0 : i32
        %dma_start3A_20 = tpu.memref_slice %arg4[%mul3A_17, %dma_start3A_19] : memref<262144x128xf32, #tpu.memory_space<hbm>> -> memref<128x128xf32, #tpu.memory_space<hbm>>
        %dma_start3A_21 = arith.constant 0 : i32
        %dma_start3A_22 = tpu.memref_slice %arg4[%mul3A_17, %dma_start3A_21] : memref<262144x128xf32, #tpu.memory_space<hbm>> -> memref<128x128xf32, #tpu.memory_space<hbm>>
        tpu.enqueue_dma source(%arg6 : memref<128x128xf32, #tpu.memory_space<vmem>>) target(%dma_start3A_22 : memref<128x128xf32, #tpu.memory_space<hbm>>) target_semaphore(%run_scoped3A : memref<!tpu.dma_semaphore, #tpu.memory_space<semaphore_mem>>)
        %dma_wait3A_23 = arith.constant 0 : i32
        %dma_wait3A_24 = tpu.memref_slice %arg4[%mul3A_17, %dma_wait3A_23] : memref<262144x128xf32, #tpu.memory_space<hbm>> -> memref<128x128xf32, #tpu.memory_space<hbm>>
        %dma_wait3A_25 = arith.constant 0 : i32
        %dma_wait3A_26 = tpu.memref_slice %arg4[%mul3A_17, %dma_wait3A_25] : memref<262144x128xf32, #tpu.memory_space<hbm>> -> memref<128x128xf32, #tpu.memory_space<hbm>>
        tpu.wait_dma2 semaphore(%run_scoped3A : memref<!tpu.dma_semaphore, #tpu.memory_space<semaphore_mem>>) src(%arg6 : memref<128x128xf32, #tpu.memory_space<vmem>>) dst(%dma_wait3A_26 : memref<128x128xf32, #tpu.memory_space<hbm>>)
        tpu.yield
      }) : () -> ()
      %scan3A_18 = arith.constant 0 : i32
      scf.yield %scan3A_18 : i32
    }
    %scan3A_6 = arith.constant 64 : i32
    return
  }
}

module attributes {stable_mosaic.version = 14 : i64} {
  func.func @_fps_pallas_kernel(%arg0: memref<3x8x4096xf32, #tpu.memory_space<vmem>>, %arg1: memref<3x8x1024xf32, #tpu.memory_space<vmem>>) attributes {dimension_semantics = [], scalar_prefetch = 0 : i64, scratch_operands = 0 : i64, tpu.core_type = #tpu.core_type<tc>} {
    %get3A = arith.constant 0 : index
    %get3A_0 = arith.constant 0 : index
    %get3A_1 = arith.constant 0 : index
    %get3A_2 = vector.load %arg0[%get3A, %get3A_0, %get3A_1] : memref<3x8x4096xf32, #tpu.memory_space<vmem>>, vector<1x8x4096xf32>
    %get3A_3 = vector.shape_cast %get3A_2 : vector<1x8x4096xf32> to vector<8x4096xf32>
    %get3A_4 = arith.constant 1 : index
    %get3A_5 = arith.constant 0 : index
    %get3A_6 = arith.constant 0 : index
    %get3A_7 = vector.load %arg0[%get3A_4, %get3A_5, %get3A_6] : memref<3x8x4096xf32, #tpu.memory_space<vmem>>, vector<1x8x4096xf32>
    %get3A_8 = vector.shape_cast %get3A_7 : vector<1x8x4096xf32> to vector<8x4096xf32>
    %get3A_9 = arith.constant 2 : index
    %get3A_10 = arith.constant 0 : index
    %get3A_11 = arith.constant 0 : index
    %get3A_12 = vector.load %arg0[%get3A_9, %get3A_10, %get3A_11] : memref<3x8x4096xf32, #tpu.memory_space<vmem>>, vector<1x8x4096xf32>
    %get3A_13 = vector.shape_cast %get3A_12 : vector<1x8x4096xf32> to vector<8x4096xf32>
    %iota3A = tpu.iota {dimensions = array<i32: 1>} : vector<8x4096xi32>
    %iota3A_14 = tpu.iota {dimensions = array<i32: 1>} : vector<8x1024xi32>
    %broadcast_in_dim3A = arith.constant 0x7F800000 : f32
    %broadcast_in_dim3A_15 = vector.broadcast %broadcast_in_dim3A : f32 to vector<8x4096xf32>
    %broadcast_in_dim3A_16 = arith.constant 0 : i32
    %broadcast_in_dim3A_17 = vector.broadcast %broadcast_in_dim3A_16 : i32 to vector<8x1xi32>
    %broadcast_in_dim3A_18 = arith.constant 0.000000e+00 : f32
    %broadcast_in_dim3A_19 = vector.broadcast %broadcast_in_dim3A_18 : f32 to vector<8x1024xf32>
    %scan3A = arith.constant 0 : i32
    %scan3A_20 = arith.constant 1024 : i32
    %scan3A_21 = arith.addi %scan3A, %scan3A_20 : i32
    %scan3A_22 = arith.constant 1 : i32
    %scan3A_23:5 = scf.for %scan3A_42 = %scan3A to %scan3A_21 step %scan3A_22 iter_args(%scan3A_43 = %broadcast_in_dim3A_15, %scan3A_44 = %broadcast_in_dim3A_17, %scan3A_45 = %broadcast_in_dim3A_19, %scan3A_46 = %broadcast_in_dim3A_19, %scan3A_47 = %broadcast_in_dim3A_19) -> (vector<8x4096xf32>, vector<8x1xi32>, vector<8x1024xf32>, vector<8x1024xf32>, vector<8x1024xf32>)  : i32 {
      %eq3A = vector.broadcast %scan3A_44 : vector<8x1xi32> to vector<8x4096xi32>
      %eq3A_48 = arith.cmpi eq, %iota3A, %eq3A : vector<8x4096xi32>
      %jit3A = arith.constant 0.000000e+00 : f32
      %broadcast_in_dim3A_49 = vector.broadcast %jit3A : f32 to vector<8x4096xf32>
      %select_n3A = arith.select %eq3A_48, %get3A_3, %broadcast_in_dim3A_49 : vector<8x4096xi1>, vector<8x4096xf32>
      %reduce_sum3A = arith.constant dense<0.000000e+00> : vector<8xf32>
      %reduce_sum3A_50 = vector.multi_reduction <add>, %select_n3A, %reduce_sum3A [1] : vector<8x4096xf32> to vector<8xf32>
      %broadcast_in_dim3A_51 = vector.shape_cast %reduce_sum3A_50 : vector<8xf32> to vector<8x1xf32>
      %jit3A_52 = arith.constant 0.000000e+00 : f32
      %broadcast_in_dim3A_53 = vector.broadcast %jit3A_52 : f32 to vector<8x4096xf32>
      %select_n3A_54 = arith.select %eq3A_48, %get3A_8, %broadcast_in_dim3A_53 : vector<8x4096xi1>, vector<8x4096xf32>
      %reduce_sum3A_55 = arith.constant dense<0.000000e+00> : vector<8xf32>
      %reduce_sum3A_56 = vector.multi_reduction <add>, %select_n3A_54, %reduce_sum3A_55 [1] : vector<8x4096xf32> to vector<8xf32>
      %broadcast_in_dim3A_57 = vector.shape_cast %reduce_sum3A_56 : vector<8xf32> to vector<8x1xf32>
      %jit3A_58 = arith.constant 0.000000e+00 : f32
      %broadcast_in_dim3A_59 = vector.broadcast %jit3A_58 : f32 to vector<8x4096xf32>
      %select_n3A_60 = arith.select %eq3A_48, %get3A_13, %broadcast_in_dim3A_59 : vector<8x4096xi1>, vector<8x4096xf32>
      %reduce_sum3A_61 = arith.constant dense<0.000000e+00> : vector<8xf32>
      %reduce_sum3A_62 = vector.multi_reduction <add>, %select_n3A_60, %reduce_sum3A_61 [1] : vector<8x4096xf32> to vector<8xf32>
      %broadcast_in_dim3A_63 = vector.shape_cast %reduce_sum3A_62 : vector<8xf32> to vector<8x1xf32>
      %eq3A_64 = vector.broadcast %scan3A_42 : i32 to vector<8x1024xi32>
      %eq3A_65 = arith.cmpi eq, %iota3A_14, %eq3A_64 : vector<8x1024xi32>
      %broadcast_in_dim3A_66 = vector.shape_cast %broadcast_in_dim3A_51 : vector<8x1xf32> to vector<8x1xf32>
      %broadcast_in_dim3A_67 = vector.broadcast %broadcast_in_dim3A_66 : vector<8x1xf32> to vector<8x1024xf32>
      %select_n3A_68 = arith.select %eq3A_65, %broadcast_in_dim3A_67, %scan3A_45 : vector<8x1024xi1>, vector<8x1024xf32>
      %broadcast_in_dim3A_69 = vector.shape_cast %broadcast_in_dim3A_57 : vector<8x1xf32> to vector<8x1xf32>
      %broadcast_in_dim3A_70 = vector.broadcast %broadcast_in_dim3A_69 : vector<8x1xf32> to vector<8x1024xf32>
      %select_n3A_71 = arith.select %eq3A_65, %broadcast_in_dim3A_70, %scan3A_46 : vector<8x1024xi1>, vector<8x1024xf32>
      %broadcast_in_dim3A_72 = vector.shape_cast %broadcast_in_dim3A_63 : vector<8x1xf32> to vector<8x1xf32>
      %broadcast_in_dim3A_73 = vector.broadcast %broadcast_in_dim3A_72 : vector<8x1xf32> to vector<8x1024xf32>
      %select_n3A_74 = arith.select %eq3A_65, %broadcast_in_dim3A_73, %scan3A_47 : vector<8x1024xi1>, vector<8x1024xf32>
      %sub3A = vector.broadcast %broadcast_in_dim3A_51 : vector<8x1xf32> to vector<8x4096xf32>
      %sub3A_75 = arith.subf %get3A_3, %sub3A : vector<8x4096xf32>
      %integer_pow3A = arith.mulf %sub3A_75, %sub3A_75 : vector<8x4096xf32>
      %sub3A_76 = vector.broadcast %broadcast_in_dim3A_57 : vector<8x1xf32> to vector<8x4096xf32>
      %sub3A_77 = arith.subf %get3A_8, %sub3A_76 : vector<8x4096xf32>
      %integer_pow3A_78 = arith.mulf %sub3A_77, %sub3A_77 : vector<8x4096xf32>
      %add3A = arith.addf %integer_pow3A, %integer_pow3A_78 : vector<8x4096xf32>
      %sub3A_79 = vector.broadcast %broadcast_in_dim3A_63 : vector<8x1xf32> to vector<8x4096xf32>
      %sub3A_80 = arith.subf %get3A_13, %sub3A_79 : vector<8x4096xf32>
      %integer_pow3A_81 = arith.mulf %sub3A_80, %sub3A_80 : vector<8x4096xf32>
      %add3A_82 = arith.addf %add3A, %integer_pow3A_81 : vector<8x4096xf32>
      %min3A = arith.minimumf %scan3A_43, %add3A_82 : vector<8x4096xf32>
      %reduce_max3A = arith.constant dense<0xFF800000> : vector<8xf32>
      %reduce_max3A_83 = vector.multi_reduction <maximumf>, %min3A, %reduce_max3A [1] : vector<8x4096xf32> to vector<8xf32>
      %broadcast_in_dim3A_84 = vector.shape_cast %reduce_max3A_83 : vector<8xf32> to vector<8x1xf32>
      %eq3A_85 = vector.broadcast %broadcast_in_dim3A_84 : vector<8x1xf32> to vector<8x4096xf32>
      %eq3A_86 = arith.cmpf oeq, %min3A, %eq3A_85 : vector<8x4096xf32>
      %jit3A_87 = arith.constant 4096 : i32
      %broadcast_in_dim3A_88 = vector.broadcast %jit3A_87 : i32 to vector<8x4096xi32>
      %select_n3A_89 = arith.select %eq3A_86, %iota3A, %broadcast_in_dim3A_88 : vector<8x4096xi1>, vector<8x4096xi32>
      %reduce_min3A = arith.constant dense<2147483647> : vector<8xi32>
      %reduce_min3A_90 = vector.multi_reduction <minsi>, %select_n3A_89, %reduce_min3A [1] : vector<8x4096xi32> to vector<8xi32>
      %broadcast_in_dim3A_91 = vector.shape_cast %reduce_min3A_90 : vector<8xi32> to vector<8x1xi32>
      scf.yield %min3A, %broadcast_in_dim3A_91, %select_n3A_68, %select_n3A_71, %select_n3A_74 : vector<8x4096xf32>, vector<8x1xi32>, vector<8x1024xf32>, vector<8x1024xf32>, vector<8x1024xf32>
    }
    %scan3A_24 = arith.constant 1024 : i32
    %swap3A = arith.constant 0 : index
    %swap3A_25 = arith.constant 0 : index
    %swap3A_26 = arith.constant 0 : index
    %swap3A_27 = vector.load %arg1[%swap3A, %swap3A_25, %swap3A_26] : memref<3x8x1024xf32, #tpu.memory_space<vmem>>, vector<1x8x1024xf32>
    %swap3A_28 = vector.shape_cast %swap3A_27 : vector<1x8x1024xf32> to vector<8x1024xf32>
    %swap3A_29 = vector.shape_cast %scan3A_23#2 : vector<8x1024xf32> to vector<1x8x1024xf32>
    tpu.vector_store %arg1[%swap3A, %swap3A_25, %swap3A_26], %swap3A_29 {strides = array<i32>} : memref<3x8x1024xf32, #tpu.memory_space<vmem>>, vector<1x8x1024xf32>,
    %swap3A_30 = arith.constant 1 : index
    %swap3A_31 = arith.constant 0 : index
    %swap3A_32 = arith.constant 0 : index
    %swap3A_33 = vector.load %arg1[%swap3A_30, %swap3A_31, %swap3A_32] : memref<3x8x1024xf32, #tpu.memory_space<vmem>>, vector<1x8x1024xf32>
    %swap3A_34 = vector.shape_cast %swap3A_33 : vector<1x8x1024xf32> to vector<8x1024xf32>
    %swap3A_35 = vector.shape_cast %scan3A_23#3 : vector<8x1024xf32> to vector<1x8x1024xf32>
    tpu.vector_store %arg1[%swap3A_30, %swap3A_31, %swap3A_32], %swap3A_35 {strides = array<i32>} : memref<3x8x1024xf32, #tpu.memory_space<vmem>>, vector<1x8x1024xf32>,
    %swap3A_36 = arith.constant 2 : index
    %swap3A_37 = arith.constant 0 : index
    %swap3A_38 = arith.constant 0 : index
    %swap3A_39 = vector.load %arg1[%swap3A_36, %swap3A_37, %swap3A_38] : memref<3x8x1024xf32, #tpu.memory_space<vmem>>, vector<1x8x1024xf32>
    %swap3A_40 = vector.shape_cast %swap3A_39 : vector<1x8x1024xf32> to vector<8x1024xf32>
    %swap3A_41 = vector.shape_cast %scan3A_23#4 : vector<8x1024xf32> to vector<1x8x1024xf32>
    tpu.vector_store %arg1[%swap3A_36, %swap3A_37, %swap3A_38], %swap3A_41 {strides = array<i32>} : memref<3x8x1024xf32, #tpu.memory_space<vmem>>, vector<1x8x1024xf32>,
    return
  }
}

module attributes {stable_mosaic.version = 14 : i64} {
  func.func @_m1_kernel(%arg0: i32, %arg1: memref<32x256x128xf32, #tpu.memory_space<vmem>>, %arg2: memref<256x128xf32, #tpu.memory_space<vmem>>, %arg3: memref<128x128xf32, #tpu.memory_space<vmem>>) attributes {dimension_semantics = [#tpu.dimension_semantics<arbitrary>], iteration_bounds = array<i64: 32>, scalar_prefetch = 0 : i64, scratch_operands = 0 : i64, tpu.core_type = #tpu.core_type<tc>, window_params = [{transform_indices = @transform_0, window_bounds = array<i64: 32, 256, 128>}, {transform_indices = @transform_1, window_bounds = array<i64: 256, 128>}, {pipeline_mode = #tpu.pipeline_mode<synchronous>, transform_indices = @transform_2, window_bounds = array<i64: 128, 128>}]} {
    %get3A = arith.constant 0 : index
    %get3A_0 = arith.constant 0 : index
    %get3A_1 = arith.constant 0 : index
    %get3A_2 = vector.load %arg1[%get3A, %get3A_0, %get3A_1] : memref<32x256x128xf32, #tpu.memory_space<vmem>>, vector<32x256x128xf32>
    %get3A_3 = arith.constant 0 : index
    %get3A_4 = arith.constant 0 : index
    %get3A_5 = vector.load %arg2[%get3A_3, %get3A_4] : memref<256x128xf32, #tpu.memory_space<vmem>>, vector<256x128xf32>
    %reshape3A = vector.shape_cast %get3A_2 : vector<32x256x128xf32> to vector<8192x128xf32>
    %iota3A = tpu.iota {dimensions = array<i32: 0>} : vector<8192x256xi32>
    %iota3A_6 = tpu.iota {dimensions = array<i32: 1>} : vector<8192x256xi32>
    %rem3A = arith.constant 256 : i32
    %rem3A_7 = vector.broadcast %rem3A : i32 to vector<8192x256xi32>
    %rem3A_8 = arith.remsi %iota3A, %rem3A_7 : vector<8192x256xi32>
    %eq3A = arith.cmpi eq, %rem3A_8, %iota3A_6 : vector<8192x256xi32>
    %convert_element_type3A = arith.extui %eq3A : vector<8192x256xi1> to vector<8192x256xi32>
    %convert_element_type3A_9 = arith.sitofp %convert_element_type3A : vector<8192x256xi32> to vector<8192x256xf32>
    %dot_general3A = arith.constant dense<0.000000e+00> : vector<8192x128xf32>
    %dot_general3A_10 = tpu.matmul %convert_element_type3A_9, %get3A_5, %dot_general3A {dimension_numbers = #tpu.dot_dimension_numbers<[1], [0], [0], [1], [0, 0, 1, 1], [], []>, transpose_lhs_hint = false} : vector<8192x256xf32>, vector<256x128xf32>, vector<8192x128xf32> -> vector<8192x128xf32>
    %sub3A = arith.subf %reshape3A, %dot_general3A_10 : vector<8192x128xf32>
    %dot_general3A_11 = arith.constant dense<0.000000e+00> : vector<128x128xf32>
    %dot_general3A_12 = tpu.matmul %sub3A, %sub3A, %dot_general3A_11 {dimension_numbers = #tpu.dot_dimension_numbers<[0], [0], [1], [1], [0, 1, 1, 1], [], []>, transpose_lhs_hint = false} : vector<8192x128xf32>, vector<8192x128xf32>, vector<128x128xf32> -> vector<128x128xf32>
    %eq3A_13 = arith.constant 0 : i32
    %eq3A_14 = arith.cmpi eq, %arg0, %eq3A_13 : i32
    %convert_element_type3A_15 = arith.extui %eq3A_14 : i1 to i32
    %cond3A = arith.constant 0 : i32
    %cond3A_16 = arith.cmpi ne, %convert_element_type3A_15, %cond3A : i32
    scf.if %cond3A_16 {
      %broadcast_in_dim3A = arith.constant 0.000000e+00 : f32
      %broadcast_in_dim3A_22 = vector.broadcast %broadcast_in_dim3A : f32 to vector<128x128xf32>
      %swap3A_23 = arith.constant 0 : index
      %swap3A_24 = arith.constant 0 : index
      %swap3A_25 = vector.load %arg3[%swap3A_23, %swap3A_24] : memref<128x128xf32, #tpu.memory_space<vmem>>, vector<128x128xf32>
      tpu.vector_store %arg3[%swap3A_23, %swap3A_24], %broadcast_in_dim3A_22 {strides = array<i32>} : memref<128x128xf32, #tpu.memory_space<vmem>>, vector<128x128xf32>,
    } else {
    }
    %get3A_17 = arith.constant 0 : index
    %get3A_18 = arith.constant 0 : index
    %get3A_19 = vector.load %arg3[%get3A_17, %get3A_18] : memref<128x128xf32, #tpu.memory_space<vmem>>, vector<128x128xf32>
    %add3A = arith.addf %get3A_19, %dot_general3A_12 : vector<128x128xf32>
    %swap3A = arith.constant 0 : index
    %swap3A_20 = arith.constant 0 : index
    %swap3A_21 = vector.load %arg3[%swap3A, %swap3A_20] : memref<128x128xf32, #tpu.memory_space<vmem>>, vector<128x128xf32>
    tpu.vector_store %arg3[%swap3A, %swap3A_20], %add3A {strides = array<i32>} : memref<128x128xf32, #tpu.memory_space<vmem>>, vector<128x128xf32>,
    return
  }
  func.func @transform_0(%arg0: i32) -> (i32, i32, i32) {
    %c0_i32 = arith.constant 0 : i32
    %c0_i32_0 = arith.constant 0 : i32
    %c0_i32_1 = arith.constant 0 : i32
    return %c0_i32, %arg0, %c0_i32_0 : i32, i32, i32
  }
  func.func @transform_1(%arg0: i32) -> (i32, i32) {
    %c0_i32 = arith.constant 0 : i32
    %c0_i32_0 = arith.constant 0 : i32
    return %arg0, %c0_i32 : i32, i32
  }
  func.func @transform_2(%arg0: i32) -> (i32, i32) {
    %c0_i32 = arith.constant 0 : i32
    %c0_i32_0 = arith.constant 0 : i32
    %c0_i32_1 = arith.constant 0 : i32
    return %c0_i32, %c0_i32_0 : i32, i32
  }
}

module attributes {stable_mosaic.version = 14 : i64} {
  func.func @_m2_kernel(%arg0: i32, %arg1: memref<32x256x128xf32, #tpu.memory_space<vmem>>, %arg2: memref<256x128xf32, #tpu.memory_space<vmem>>, %arg3: memref<128x128xf32, #tpu.memory_space<vmem>>, %arg4: memref<32x256x64xf32, #tpu.memory_space<vmem>>, %arg5: memref<64x64xf32, #tpu.memory_space<vmem>>, %arg6: memref<8x64xf32, #tpu.memory_space<vmem>>) attributes {dimension_semantics = [#tpu.dimension_semantics<arbitrary>], iteration_bounds = array<i64: 32>, scalar_prefetch = 0 : i64, scratch_operands = 0 : i64, tpu.core_type = #tpu.core_type<tc>, window_params = [{transform_indices = @transform_0, window_bounds = array<i64: 32, 256, 128>}, {transform_indices = @transform_1, window_bounds = array<i64: 256, 128>}, {pipeline_mode = #tpu.pipeline_mode<synchronous>, transform_indices = @transform_2, window_bounds = array<i64: 128, 128>}, {transform_indices = @transform_3, window_bounds = array<i64: 32, 256, 64>}, {pipeline_mode = #tpu.pipeline_mode<synchronous>, transform_indices = @transform_4, window_bounds = array<i64: 64, 64>}, {pipeline_mode = #tpu.pipeline_mode<synchronous>, transform_indices = @transform_5, window_bounds = array<i64: 8, 64>}]} {
    %get3A = arith.constant 0 : index
    %get3A_0 = arith.constant 0 : index
    %get3A_1 = arith.constant 0 : index
    %get3A_2 = vector.load %arg1[%get3A, %get3A_0, %get3A_1] : memref<32x256x128xf32, #tpu.memory_space<vmem>>, vector<32x256x128xf32>
    %get3A_3 = arith.constant 0 : index
    %get3A_4 = arith.constant 0 : index
    %get3A_5 = vector.load %arg2[%get3A_3, %get3A_4] : memref<256x128xf32, #tpu.memory_space<vmem>>, vector<256x128xf32>
    %reshape3A = vector.shape_cast %get3A_2 : vector<32x256x128xf32> to vector<8192x128xf32>
    %iota3A = tpu.iota {dimensions = array<i32: 0>} : vector<8192x256xi32>
    %iota3A_6 = tpu.iota {dimensions = array<i32: 1>} : vector<8192x256xi32>
    %rem3A = arith.constant 256 : i32
    %rem3A_7 = vector.broadcast %rem3A : i32 to vector<8192x256xi32>
    %rem3A_8 = arith.remsi %iota3A, %rem3A_7 : vector<8192x256xi32>
    %eq3A = arith.cmpi eq, %rem3A_8, %iota3A_6 : vector<8192x256xi32>
    %convert_element_type3A = arith.extui %eq3A : vector<8192x256xi1> to vector<8192x256xi32>
    %convert_element_type3A_9 = arith.sitofp %convert_element_type3A : vector<8192x256xi32> to vector<8192x256xf32>
    %dot_general3A = arith.constant dense<0.000000e+00> : vector<8192x128xf32>
    %dot_general3A_10 = tpu.matmul %convert_element_type3A_9, %get3A_5, %dot_general3A {dimension_numbers = #tpu.dot_dimension_numbers<[1], [0], [0], [1], [0, 0, 1, 1], [], []>, transpose_lhs_hint = false} : vector<8192x256xf32>, vector<256x128xf32>, vector<8192x128xf32> -> vector<8192x128xf32>
    %sub3A = arith.subf %reshape3A, %dot_general3A_10 : vector<8192x128xf32>
    %get3A_11 = arith.constant 0 : index
    %get3A_12 = arith.constant 0 : index
    %get3A_13 = vector.load %arg3[%get3A_11, %get3A_12] : memref<128x128xf32, #tpu.memory_space<vmem>>, vector<128x128xf32>
    %dot_general3A_14 = arith.constant dense<0.000000e+00> : vector<8192x128xf32>
    %dot_general3A_15 = tpu.matmul %sub3A, %get3A_13, %dot_general3A_14 {dimension_numbers = #tpu.dot_dimension_numbers<[1], [1], [0], [0], [0, 0, 1, 0], [], []>, transpose_lhs_hint = false} : vector<8192x128xf32>, vector<128x128xf32>, vector<8192x128xf32> -> vector<8192x128xf32>
    %slice3A = vector.extract_strided_slice %dot_general3A_15 {offsets = [0, 0], sizes = [8192, 64], strides = [1, 1]} : vector<8192x128xf32> to vector<8192x64xf32>
    %slice3A_16 = vector.extract_strided_slice %dot_general3A_15 {offsets = [0, 64], sizes = [8192, 64], strides = [1, 1]} : vector<8192x128xf32> to vector<8192x64xf32>
    %logistic3A = arith.negf %slice3A : vector<8192x64xf32>
    %logistic3A_17 = math.exp %logistic3A : vector<8192x64xf32>
    %logistic3A_18 = arith.constant 1.000000e+00 : f32
    %logistic3A_19 = vector.broadcast %logistic3A_18 : f32 to vector<8192x64xf32>
    %logistic3A_20 = arith.addf %logistic3A_19, %logistic3A_17 : vector<8192x64xf32>
    %logistic3A_21 = arith.divf %logistic3A_19, %logistic3A_20 : vector<8192x64xf32>
    %mul3A = arith.mulf %slice3A, %logistic3A_21 : vector<8192x64xf32>
    %add3A = arith.addf %mul3A, %slice3A_16 : vector<8192x64xf32>
    %reshape3A_22 = vector.shape_cast %add3A : vector<8192x64xf32> to vector<32x256x64xf32>
    %swap3A = arith.constant 0 : index
    %swap3A_23 = arith.constant 0 : index
    %swap3A_24 = arith.constant 0 : index
    %swap3A_25 = vector.load %arg4[%swap3A, %swap3A_23, %swap3A_24] : memref<32x256x64xf32, #tpu.memory_space<vmem>>, vector<32x256x64xf32>
    tpu.vector_store %arg4[%swap3A, %swap3A_23, %swap3A_24], %reshape3A_22 {strides = array<i32>} : memref<32x256x64xf32, #tpu.memory_space<vmem>>, vector<32x256x64xf32>,
    %dot_general3A_26 = arith.constant dense<0.000000e+00> : vector<64x64xf32>
    %dot_general3A_27 = tpu.matmul %add3A, %add3A, %dot_general3A_26 {dimension_numbers = #tpu.dot_dimension_numbers<[0], [0], [1], [1], [0, 1, 1, 1], [], []>, transpose_lhs_hint = false} : vector<8192x64xf32>, vector<8192x64xf32>, vector<64x64xf32> -> vector<64x64xf32>
    %reduce_sum3A = arith.constant dense<0.000000e+00> : vector<64xf32>
    %reduce_sum3A_28 = vector.multi_reduction <add>, %add3A, %reduce_sum3A [0] : vector<8192x64xf32> to vector<64xf32>
    %broadcast_in_dim3A = vector.shape_cast %reduce_sum3A_28 : vector<64xf32> to vector<1x64xf32>
    %broadcast_in_dim3A_29 = vector.shape_cast %broadcast_in_dim3A : vector<1x64xf32> to vector<1x64xf32>
    %broadcast_in_dim3A_30 = vector.broadcast %broadcast_in_dim3A_29 : vector<1x64xf32> to vector<8x64xf32>
    %eq3A_31 = arith.constant 0 : i32
    %eq3A_32 = arith.cmpi eq, %arg0, %eq3A_31 : i32
    %convert_element_type3A_33 = arith.extui %eq3A_32 : i1 to i32
    %cond3A = arith.constant 0 : i32
    %cond3A_34 = arith.cmpi ne, %convert_element_type3A_33, %cond3A : i32
    scf.if %cond3A_34 {
      %broadcast_in_dim3A_49 = arith.constant 0.000000e+00 : f32
      %broadcast_in_dim3A_50 = vector.broadcast %broadcast_in_dim3A_49 : f32 to vector<64x64xf32>
      %swap3A_51 = arith.constant 0 : index
      %swap3A_52 = arith.constant 0 : index
      %swap3A_53 = vector.load %arg5[%swap3A_51, %swap3A_52] : memref<64x64xf32, #tpu.memory_space<vmem>>, vector<64x64xf32>
      tpu.vector_store %arg5[%swap3A_51, %swap3A_52], %broadcast_in_dim3A_50 {strides = array<i32>} : memref<64x64xf32, #tpu.memory_space<vmem>>, vector<64x64xf32>,
      %broadcast_in_dim3A_54 = arith.constant 0.000000e+00 : f32
      %broadcast_in_dim3A_55 = vector.broadcast %broadcast_in_dim3A_54 : f32 to vector<8x64xf32>
      %swap3A_56 = arith.constant 0 : index
      %swap3A_57 = arith.constant 0 : index
      %swap3A_58 = vector.load %arg6[%swap3A_56, %swap3A_57] : memref<8x64xf32, #tpu.memory_space<vmem>>, vector<8x64xf32>
      tpu.vector_store %arg6[%swap3A_56, %swap3A_57], %broadcast_in_dim3A_55 {strides = array<i32>} : memref<8x64xf32, #tpu.memory_space<vmem>>, vector<8x64xf32>,
    } else {
    }
    %get3A_35 = arith.constant 0 : index
    %get3A_36 = arith.constant 0 : index
    %get3A_37 = vector.load %arg5[%get3A_35, %get3A_36] : memref<64x64xf32, #tpu.memory_space<vmem>>, vector<64x64xf32>
    %add3A_38 = arith.addf %get3A_37, %dot_general3A_27 : vector<64x64xf32>
    %swap3A_39 = arith.constant 0 : index
    %swap3A_40 = arith.constant 0 : index
    %swap3A_41 = vector.load %arg5[%swap3A_39, %swap3A_40] : memref<64x64xf32, #tpu.memory_space<vmem>>, vector<64x64xf32>
    tpu.vector_store %arg5[%swap3A_39, %swap3A_40], %add3A_38 {strides = array<i32>} : memref<64x64xf32, #tpu.memory_space<vmem>>, vector<64x64xf32>,
    %get3A_42 = arith.constant 0 : index
    %get3A_43 = arith.constant 0 : index
    %get3A_44 = vector.load %arg6[%get3A_42, %get3A_43] : memref<8x64xf32, #tpu.memory_space<vmem>>, vector<8x64xf32>
    %add3A_45 = arith.addf %get3A_44, %broadcast_in_dim3A_30 : vector<8x64xf32>
    %swap3A_46 = arith.constant 0 : index
    %swap3A_47 = arith.constant 0 : index
    %swap3A_48 = vector.load %arg6[%swap3A_46, %swap3A_47] : memref<8x64xf32, #tpu.memory_space<vmem>>, vector<8x64xf32>
    tpu.vector_store %arg6[%swap3A_46, %swap3A_47], %add3A_45 {strides = array<i32>} : memref<8x64xf32, #tpu.memory_space<vmem>>, vector<8x64xf32>,
    return
  }
  func.func @transform_0(%arg0: i32) -> (i32, i32, i32) {
    %c0_i32 = arith.constant 0 : i32
    %c0_i32_0 = arith.constant 0 : i32
    %c0_i32_1 = arith.constant 0 : i32
    return %c0_i32, %arg0, %c0_i32_0 : i32, i32, i32
  }
  func.func @transform_1(%arg0: i32) -> (i32, i32) {
    %c0_i32 = arith.constant 0 : i32
    %c0_i32_0 = arith.constant 0 : i32
    return %arg0, %c0_i32 : i32, i32
  }
  func.func @transform_2(%arg0: i32) -> (i32, i32) {
    %c0_i32 = arith.constant 0 : i32
    %c0_i32_0 = arith.constant 0 : i32
    %c0_i32_1 = arith.constant 0 : i32
    return %c0_i32, %c0_i32_0 : i32, i32
  }
  func.func @transform_3(%arg0: i32) -> (i32, i32, i32) {
    %c0_i32 = arith.constant 0 : i32
    %c0_i32_0 = arith.constant 0 : i32
    %c0_i32_1 = arith.constant 0 : i32
    return %c0_i32, %arg0, %c0_i32_0 : i32, i32, i32
  }
  func.func @transform_4(%arg0: i32) -> (i32, i32) {
    %c0_i32 = arith.constant 0 : i32
    %c0_i32_0 = arith.constant 0 : i32
    %c0_i32_1 = arith.constant 0 : i32
    return %c0_i32, %c0_i32_0 : i32, i32
  }
  func.func @transform_5(%arg0: i32) -> (i32, i32) {
    %c0_i32 = arith.constant 0 : i32
    %c0_i32_0 = arith.constant 0 : i32
    %c0_i32_1 = arith.constant 0 : i32
    return %c0_i32, %c0_i32_0 : i32, i32
  }
}

module attributes {stable_mosaic.version = 14 : i64} {
  func.func @_m3_kernel(%arg0: i32, %arg1: memref<32x128x64xf32, #tpu.memory_space<vmem>>, %arg2: memref<256x64xf32, #tpu.memory_space<vmem>>, %arg3: memref<256x8xf32, #tpu.memory_space<vmem>>, %arg4: memref<128x128xf32, #tpu.memory_space<vmem>>) attributes {dimension_semantics = [#tpu.dimension_semantics<arbitrary>], iteration_bounds = array<i64: 64>, scalar_prefetch = 0 : i64, scratch_operands = 0 : i64, tpu.core_type = #tpu.core_type<tc>, window_params = [{transform_indices = @transform_0, window_bounds = array<i64: 32, 128, 64>}, {pipeline_mode = #tpu.pipeline_mode<synchronous>, transform_indices = @transform_1, window_bounds = array<i64: 256, 64>}, {pipeline_mode = #tpu.pipeline_mode<synchronous>, transform_indices = @transform_2, window_bounds = array<i64: 256, 8>}, {transform_indices = @transform_3, window_bounds = array<i64: 128, 128>}]} {
    %get3A = arith.constant 0 : index
    %get3A_0 = arith.constant 0 : index
    %get3A_1 = arith.constant 0 : index
    %get3A_2 = vector.load %arg1[%get3A, %get3A_0, %get3A_1] : memref<32x128x64xf32, #tpu.memory_space<vmem>>, vector<32x128x64xf32>
    %reshape3A = vector.shape_cast %get3A_2 : vector<32x128x64xf32> to vector<4096x64xf32>
    %get3A_3 = arith.constant 0 : index
    %get3A_4 = arith.constant 0 : index
    %get3A_5 = vector.load %arg2[%get3A_3, %get3A_4] : memref<256x64xf32, #tpu.memory_space<vmem>>, vector<256x64xf32>
    %dot_general3A = arith.constant dense<0.000000e+00> : vector<256x4096xf32>
    %dot_general3A_6 = tpu.matmul %get3A_5, %reshape3A, %dot_general3A {dimension_numbers = #tpu.dot_dimension_numbers<[1], [1], [0], [0], [0, 0, 1, 0], [], []>, transpose_lhs_hint = false} : vector<256x64xf32>, vector<4096x64xf32>, vector<256x4096xf32> -> vector<256x4096xf32>
    %get3A_7 = arith.constant 0 : index
    %get3A_8 = arith.constant 0 : index
    %get3A_9 = vector.load %arg3[%get3A_7, %get3A_8] : memref<256x8xf32, #tpu.memory_space<vmem>>, vector<256x1xf32>
    %add3A = vector.broadcast %get3A_9 : vector<256x1xf32> to vector<256x4096xf32>
    %add3A_10 = arith.addf %dot_general3A_6, %add3A : vector<256x4096xf32>
    %slice3A = vector.extract_strided_slice %add3A_10 {offsets = [0, 0], sizes = [128, 4096], strides = [1, 1]} : vector<256x4096xf32> to vector<128x4096xf32>
    %slice3A_11 = vector.extract_strided_slice %add3A_10 {offsets = [128, 0], sizes = [128, 4096], strides = [1, 1]} : vector<256x4096xf32> to vector<128x4096xf32>
    %logistic3A = arith.negf %slice3A : vector<128x4096xf32>
    %logistic3A_12 = math.exp %logistic3A : vector<128x4096xf32>
    %logistic3A_13 = arith.constant 1.000000e+00 : f32
    %logistic3A_14 = vector.broadcast %logistic3A_13 : f32 to vector<128x4096xf32>
    %logistic3A_15 = arith.addf %logistic3A_14, %logistic3A_12 : vector<128x4096xf32>
    %logistic3A_16 = arith.divf %logistic3A_14, %logistic3A_15 : vector<128x4096xf32>
    %mul3A = arith.mulf %slice3A, %logistic3A_16 : vector<128x4096xf32>
    %add3A_17 = arith.addf %mul3A, %slice3A_11 : vector<128x4096xf32>
    %reshape3A_18 = vector.shape_cast %add3A_17 : vector<128x4096xf32> to vector<128x32x128xf32>
    %reduce_max3A = arith.constant dense<0xFF800000> : vector<128x128xf32>
    %reduce_max3A_19 = vector.multi_reduction <maximumf>, %reshape3A_18, %reduce_max3A [1] : vector<128x32x128xf32> to vector<128x128xf32>
    %swap3A = arith.constant 0 : index
    %swap3A_20 = arith.constant 0 : index
    %swap3A_21 = vector.load %arg4[%swap3A, %swap3A_20] : memref<128x128xf32, #tpu.memory_space<vmem>>, vector<128x128xf32>
    tpu.vector_store %arg4[%swap3A, %swap3A_20], %reduce_max3A_19 {strides = array<i32>} : memref<128x128xf32, #tpu.memory_space<vmem>>, vector<128x128xf32>,
    return
  }
  func.func @transform_0(%arg0: i32) -> (i32, i32, i32) {
    %c0_i32 = arith.constant 0 : i32
    %c0_i32_0 = arith.constant 0 : i32
    %c0_i32_1 = arith.constant 0 : i32
    return %c0_i32, %arg0, %c0_i32_0 : i32, i32, i32
  }
  func.func @transform_1(%arg0: i32) -> (i32, i32) {
    %c0_i32 = arith.constant 0 : i32
    %c0_i32_0 = arith.constant 0 : i32
    %c0_i32_1 = arith.constant 0 : i32
    return %c0_i32, %c0_i32_0 : i32, i32
  }
  func.func @transform_2(%arg0: i32) -> (i32, i32) {
    %c0_i32 = arith.constant 0 : i32
    %c0_i32_0 = arith.constant 0 : i32
    %c0_i32_1 = arith.constant 0 : i32
    return %c0_i32, %c0_i32_0 : i32, i32
  }
  func.func @transform_3(%arg0: i32) -> (i32, i32) {
    %c0_i32 = arith.constant 0 : i32
    %c0_i32_0 = arith.constant 0 : i32
    return %c0_i32, %arg0 : i32, i32
  }
}

</mosaic_0001>

<sc_bundles>
// kernel: kernel.7.cloned.1.call-start
scs
__scs_entry_jumppad:
0x0: {  	(pc) =	sbr.rel $0x88, $3  }
0x1: {  	(tag) =	ssettag $0x0;
	lr =	simm.s32 $0x1  }
0x2: {  	[smem:$0x3F8F] =	sst lr;
	_ =	strace $0xD0000000  }
0x3: {  	_ = 	snop  }
0x4: {  	_ = 	snop  }
0x5: {  	_ = 	snop  }
0x6: {  	_ = 	snop  }
0x7: {  	_ = 	snop  }
__scs_overlays_trampoline_lowered:
0x8: {  	[smem:$0x3F9E] =	sst s0  }
0x9: {  	[smem:$0x3F9F] =	sst s1  }
0xa: {  	[smem:$0x3FA0] =	sst s2  }
0xb: {  	[smem:$0x3FA1] =	sst s3  }
0xc: {  	[smem:$0x3FA2] =	sst s4  }
0xd: {  	[smem:$0x3FA3] =	sst s5  }
0xe: {  	[smem:$0x3FA4] =	sst s6  }
0xf: {  	[smem:$0x3FA5] =	sst s7  }
0x10: {  	[smem:$0x3FA6] =	sst s8  }
0x11: {  	[smem:$0x3FA7] =	sst s9;
	s0 =	simm.s32 @!p0 $0x0  }
0x12: {  	s1 =	sld [smem:$0x3F8D];
	s0 =	simm.s32 @p0 $0x1  }
0x13: {  	[smem:$0x3FA8] =	sst s0;
	s0 =	simm.s32 @!p1 $0x0  }
0x14: {  	s2 =	sld [smem:$0x3F8C];
	s0 =	simm.s32 @p1 $0x1  }
0x15: {  	[smem:$0x3FA9] =	sst s0;
	s0 =	simm.s32 @!p2 $0x0  }
0x16: {  	s3 =	sld [smem:$0x3FDB];
	s0 =	simm.s32 @p2 $0x1  }
0x17: {  	s4 =	simm.s32 $0x1BF5;
	[smem:$0x3FAB] =	sst s0  }
0x18: {  	s0 =	sld [smem:$0x3F8E];
	_ =	swait.ge [sflag:s4], $0x0  }
0x19: {  	s7 =	sld [smem:$0x3F8F]  }
0x1a: {  	s8 =	sadd.s32 $0xFFFFE003, lr  }
0x1b: {  	s9 =	sadd.s32 $0xFFFFFEF7, lr;
	s5 =	simm.s32 $0xFFFFFFFF;
	p2 =	slt.u32 s8, $0xFFFFF086  }
0x1c: {  	p1 =	slt.u32 s9, $0xF7A;
	s5 =	simm.s32 @!p2 $0x0  }
0x1d: {  	s5 =	simm.s32 @p1 $0x1;
	p0 =	seq.s32 s7, s2  }
0x1e: {  	s7 =	smul.u32 @!p0 $0xF7A, s2;
	p2 =	seq.s32 @!p0 s5, $0x0  }
0x1f: {  	s9 =	smul.u32 $0xF7A, s1;
	s8 =	simm.s32 @!p0 $0x1BF5;
	p2 =	por !p2, p0  }
0x20: {  	[sflag:s8] =	ssyncset.s32 @!p0 $0xFFFFF086;
	s6 =	sadd.s32 @!p0 s3, s7;
	s7 =	simm.s32 @!p0 $0x108  }
0x21: {  	s3 =	sadd.s32 s3, s9;
	s6 =	sadd.s32 @!p0 $0x88, s6;
	s7 =	simm.s32 @p2 $0x1082  }
0x22: {  	[simem:s7], [sflag:s8] =	dma.local @!p0 [hbm:s6], $0xF7A  }
0x23: {  	s9 =	sor.u32 $0xD0000000, s2;
	s6 =	simm.s32 $0x108;
	_ =	swait.ge @!p0 [sflag:s8], $0x0  }
0x24: {  	s3 =	sadd.s32 $0x88, s3;
	s6 =	simm.s32 @!p1 $0x1082;
	[sflag:s4] =	ssyncset.s32 $0xFFFFF086  }
0x25: {  	[simem:s6], [sflag:s4] =	dma.local [hbm:s3], $0xF7A  }
0x26: {  	[smem:$0x3F8F] =	sst s1;
	(tag) =	ssettag s2;
	_ =	strace s9  }
0x27: {  	s1 =	sld [smem:$0x3F9F]  }
0x28: {  	s2 =	sld [smem:$0x3FA0]  }
0x29: {  	s4 =	sld [smem:$0x3FA2]  }
0x2a: {  	p0 =	seq.s32 s5, $0x0;
	s5 =	sld [smem:$0x3FA3]  }
0x2b: {  	s6 =	sld [smem:$0x3FA4]  }
0x2c: {  	s7 =	sld [smem:$0x3FA5]  }
0x2d: {  	s3 =	simm.s32 $0x108;
	s8 =	sld [smem:$0x3FA6]  }
0x2e: {  	s3 =	simm.s32 @!p0 $0x1082;
	s9 =	sld [smem:$0x3FA7]  }
0x2f: {  	lr =	sadd.s32 s0, s3;
	s0 =	sld [smem:$0x3F9E]  }
0x30: {  	s3 =	sld [smem:$0x3FA1]  }
0x31: {  	[smem:$0x3FAA] =	sst s10  }
0x32: {  	s10 =	sld [smem:$0x3FA8];
	_ =	sdelay $0x3  }
0x33: {  	p0 =	seq.s32 s10, $0x1;
	s10 =	sld [smem:$0x3FAA];
	_ =	sdelay $0x3  }
0x34: {  	[smem:$0x3FAA] =	sst s10  }
0x35: {  	s10 =	sld [smem:$0x3FA9];
	_ =	sdelay $0x3  }
0x36: {  	p1 =	seq.s32 s10, $0x1;
	s10 =	sld [smem:$0x3FAA];
	_ =	sdelay $0x3  }
0x37: {  	[smem:$0x3FAA] =	sst s10  }
0x38: {  	s10 =	sld [smem:$0x3FAB]  }
0x39: {  	_ = 	snop;
	(pc) =	sbr.ind lr, $3  }
0x3a: {  	_ = 	snop  }
0x3b: {  	_ = 	snop  }
0x3c: {  	p2 =	seq.s32 s10, $0x1;
	s10 =	sld [smem:$0x3FAA]  }
0x3d: {  	_ =	shalt  }
0x3e: {  	_ =	shalt  }
0x3f: {  	_ =	shalt  }
0x40: {  	_ =	shalt  }
0x41: {  	_ =	shalt  }
0x42: {  	_ =	shalt  }
0x43: {  	_ =	shalt  }
0x44: {  	_ =	shalt  }
0x45: {  	_ =	shalt  }
0x46: {  	_ =	shalt  }
0x47: {  	_ =	shalt  }
0x48: {  	_ =	shalt  }
0x49: {  	_ =	shalt  }
0x4a: {  	_ =	shalt  }
0x4b: {  	_ =	shalt  }
0x4c: {  	_ =	shalt  }
0x4d: {  	_ =	shalt  }
0x4e: {  	_ =	shalt  }
0x4f: {  	_ =	shalt  }
0x50: {  	_ =	shalt  }
0x51: {  	_ =	shalt  }
0x52: {  	_ =	shalt  }
0x53: {  	_ =	shalt  }
0x54: {  	_ =	shalt  }
0x55: {  	_ =	shalt  }
0x56: {  	_ =	shalt  }
0x57: {  	_ =	shalt  }
0x58: {  	_ =	shalt  }
0x59: {  	_ =	shalt  }
0x5a: {  	_ =	shalt  }
0x5b: {  	_ =	shalt  }
0x5c: {  	_ =	shalt  }
0x5d: {  	_ =	shalt  }
0x5e: {  	_ =	shalt  }
0x5f: {  	_ =	shalt  }
0x60: {  	_ =	shalt  }
0x61: {  	_ =	shalt  }
0x62: {  	_ =	shalt  }
0x63: {  	_ =	shalt  }
0x64: {  	_ =	shalt  }
0x65: {  	_ =	shalt  }
0x66: {  	_ =	shalt  }
0x67: {  	_ =	shalt  }
0x68: {  	_ =	shalt  }
0x69: {  	_ =	shalt  }
0x6a: {  	_ =	shalt  }
0x6b: {  	_ =	shalt  }
0x6c: {  	_ =	shalt  }
0x6d: {  	_ =	shalt  }
0x6e: {  	_ =	shalt  }
0x6f: {  	_ =	shalt  }
0x70: {  	_ =	shalt  }
0x71: {  	_ =	shalt  }
0x72: {  	_ =	shalt  }
0x73: {  	_ =	shalt  }
0x74: {  	_ =	shalt  }
0x75: {  	_ =	shalt  }
0x76: {  	_ =	shalt  }
0x77: {  	_ =	shalt  }
0x78: {  	_ =	shalt  }
0x79: {  	_ =	shalt  }
0x7a: {  	_ =	shalt  }
0x7b: {  	_ =	shalt  }
0x7c: {  	_ =	shalt  }
0x7d: {  	_ =	shalt  }
0x7e: {  	_ =	shalt  }
0x7f: {  	_ =	shalt  }
0x80: {  	_ =	shalt  }
0x81: {  	_ =	shalt  }
0x82: {  	_ =	shalt  }
0x83: {  	_ =	shalt  }
0x84: {  	_ =	shalt  }
0x85: {  	_ =	shalt  }
0x86: {  	_ =	shalt  }
0x87: {  	_ =	shalt  }
.Lfunc_end0:
.L_simem_size_0:
called_computation.1_lowered:
.L_overlay_start_0:
0x88: {  	s2 =	sld [smem:$0x3FD9]  }
0x89: {  	s3 =	sld [smem:$0x3FFE];
	_ =	sdelay $0x1  }
0x8a: {  	s1 =	srdreg.scid  }
0x8b: {  	s0 =	sand.u32 $0x1, s1  }
0x8c: {  	s16 =	sshll.u32 s0, $0xA;
	s2 =	sadd.s32 s3, s2  }
0x8d: {  	s2 =	sadd.s32 s2, s16  }
0x8e: {  	[smem:$0x3FB6] =	sst s2  }
0x8f: {  	_ = 	snop  }
0x90: {  	(tm) =	ssettm $0x1  }
0x91: {  	s17 =	sld [smem:$0x3FFB];
	_ =	sdelay $0x3  }
0x92: {  	_ =	strace s17  }
0x93: {  	s2 =	sld [smem:$0x3FFC];
	_ =	sdelay $0x3  }
0x94: {  	_ =	strace s2  }
0x95: {  	s2 =	sld [smem:$0x3FFD];
	_ =	sdelay $0x3  }
0x96: {  	_ =	strace s2  }
0x97: {  	_ =	strace $0x8FFFFFFF  }
0x98: {  	s18 =	sld [smem:$0x3FDB];
	_ =	sdelay $0x1  }
0x99: {  	s19 =	simm.s32 $_scs_section_size  }
0x9a: {  	s4 =	simm.s32 $_size__tile_overlayer_lowered;
	s5 =	simm.s32 $_tile_overlayer_lowered  }
0x9b: {  	s22 =	simm.s32 $0x1BFF;
	s21 =	sshll.u32 s5, $0x1;
	s2 =	sadd.s32 s19, s18  }
0x9c: {  	s6 =	simm.s32 $0x0;
	s20 =	sshll.u32 s4, $0x1;
	s4 =	sadd.s32 s21, s2  }
0x9d: {  	[timem:s6], [sflag:s22] =	dma.local [hbm:s4], s20  }
0x9e: {  	_ =	swait.ge [sflag:s22], s20  }
0x9f: {  	s3 =	ssub.s32 $0x0, s20;
	[sflag:s22] =	ssyncset.done $0x0  }
0xa0: {  	[sflag:s22] =	ssyncadd.s32 s3;
	_ =	sdelay $0x1  }
0xa1: {  	s23 =	simm.s32 $0x1B8B  }
0xa2: {  	_ =	swait.ge [sflag:s23], $0x1  }
0xa3: {  	[sflag:s23] =	ssyncset.done $0x0  }
0xa4: {  	s25 =	simm.s32 $0x1B8E;
	s24 =	sld [smem:$0x3FFE];
	[sflag:s23] =	ssyncadd.s32 $0xFFFFFFFF  }
0xa5: {  	s26 =	simm.s32 $execute0_lowered;
	[smem:$0x3FD2] =	sst s25  }
0xa6: {  	s4 =	sshll.u32 s26, $0x1;
	_ =	strace $0x80000049;
	[dreg:$0x1] =	wrdreg $0xFFFFFFFF  }
0xa7: {  	s28 =	simm.s32 $_size_execute0_lowered;
	s2 =	sadd.s32 s2, s4;
	[dreg:$0x0] =	wrdreg $0x0  }
0xa8: {  	s4 =	sshll.u32 s28, $0x1;
	[dreg:$0x2] =	wrdreg s2  }
0xa9: {  	[dreg:$0x3] =	wrdreg s4  }
0xaa: {  	[dreg:$0x4] =	wrdreg $0xC0  }
0xab: {  	_ =	task [dreg:s6], $0x5FFFF  }
0xac: {  	[dreg:$0x1] =	wrdreg $0xFFFFFFFF  }
0xad: {  	[dreg:$0x0] =	wrdreg $0x60  }
0xae: {  	[dreg:$0x2] =	wrdreg s24  }
0xaf: {  	[dreg:$0x3] =	wrdreg $0x9  }
0xb0: {  	_ =	task.clear_ibuf [dreg:s6], $0x4FFFF;
	_ =	strace $0x90000049  }
0xb1: {  	s29 =	simm.s32 $0x9;
	_ =	strace $0x8000004B  }
0xb2: {  	_ =	swait.ge [sflag:s29], $0x1  }
0xb3: {  	[sflag:s29] =	ssyncadd.s32 $0xFFFFFFFF  }
0xb4: {  	_ =	strace $0x9000004B  }
0xb5: {  	_ =	sfence  }
0xb6: {  	s30 =	sld [smem:$0x0];
	_ =	sdelay $0x2  }
0xb7: {  	s31 =	sshll.u32 s1, $0xD;
	s1 =	sshrl.u32 s1, $0x2  }
0xb8: {  	s3 =	sand.u32 $0x4000, s31;
	s1 =	sadd.s32 s1, s30  }
0xb9: {  	s0 =	sor.u32 s3, s0;
	s1 =	sshll.u32 s1, $0x11  }
0xba: {  	s0 =	sor.u32 s1, s0  }
0xbb: {  	s0 =	sadd.s32 $0x8F2B, s0  }
0xbc: {  	[sflag:s0] =	ssyncadd.remote.s32 $0x1  }
0xbd: {  	_ =	sfence.sel $0xFFFF  }
0xbe: {  	[dreg:$0x0] =	wrdreg $0xFFFFFFFF;
	(pc) =	sbr.abs _section_cstart, $3  }
0xbf: {  	[dreg:$0x1] =	wrdreg $0xFFFFFFFF  }
0xc0: {  	_ =	task.clear_ibuf [dreg:s6], $0x2FFFF;
	_ =	strace $0x9FFFFFFF  }
0xc1: {  	(tm) =	ssettm $0x7FFFFFFF  }
tec
execute0_lowered:
.L_overlay_start_1:
0x0: {  	(tag) =	ssettag $0x1  }
0x1: {  	s1 =	rddreg [dreg:$0x0]  }
0x2: {  	s3 =	srdreg.scid;
	s0 =	rddreg [dreg:$0x1];
	s2 =	simm.s32 $0x0  }
0x3: {  	s10 =	simm.s32 $0x1;
	s11 =	simm.s32 $0x0;
	s6 =	sand.u32 $0x1, s3  }
0x4: {  	[smem:$0x7FF] =	sst s2;
	s3 =	stileid.u32;
	s4 =	sadd.s32 $0x800000, s1  }
0x5: {  	s5 =	ssub.s32 $0x2, s6;
	_ =	strace $0x8000004A;
	s8 =	sshll.u32 s3, $0x12  }
0x6: {  	s30 =	sshll.u32 s6, $0x11;
	s31 =	sshll.u32 s3, $0xB;
	s7 =	sshrl.u32 s5, $0x1  }
0x7: {  	s9 =	sshll.u32 s6, $0xA;
	s29 =	sadd.s32 s8, s1;
	s5 =	ssub.s32 s5, s7  }
0x8: {  	s8 =	simm.s32 $0x2;
	s7 =	sadd.s32 s30, s29;
	s5 =	smax.u32 s5, $0x1  }
0x9: {  	s6 =	sadd.s32 $0x8000, s7;
	s7 =	sor.u32 s9, s31;
	s9 =	simm.s32 $0x80  }
.LBB2_1:
0xa: {  	s12 =	sadd.s32 $0x0, s7;
	s13 =	sand.u32 $0x70, s2  }
0xb: {  	s12 =	sand.u32 $0x7F80, s12;
	s13 =	sadd.s32 s1, s13  }
0xc: {  	s12 =	sadd.s32 s12, s13  }
0xd: {  	[tilespmem:s2], [sflag:$0x2] =	stream.linear.gather [hbm4b:s12+s2], $0x80, $0x38;
	[tilespmem:$0x4080] =	vst v63  }
0xe: {  	_ =	swait.ge [sflag:s8], $0x80  }
0xf: {  	[sflag:s8] =	ssyncset.done $0x0  }
0x10: {  	[sflag:s8] =	ssyncadd.s32 $0xFFFFFF80  }
0x11: {  	[tilespmem:s9], [sflag:$0x1] =	stream.indirect.gather [hbm4b:s4+s9], $0x80, s2, s9, $0xb8;
	[tilespmem:$0x4080] =	vst v63  }
0x12: {  	_ =	swait.ge [sflag:s10], $0x4000  }
0x13: {  	s14 =	simm.s32 $0x10;
	[sflag:s10] =	ssyncset.done $0x0  }
0x14: {  	s15 =	sadd.s32 $0x10, s7;
	s16 =	sand.u32 $0x70, s14;
	[sflag:s10] =	ssyncadd.s32 $0xFFFFC000  }
0x15: {  	[hbm4b:s6+s2] =	stream.linear.scatter [tilespmem:s9], [sflag:$0x2], $0x4000, $0x38;
	[tilespmem:$0x4080] =	vst v63  }
0x16: {  	s14 =	sand.u32 $0x7F80, s15;
	s13 =	simm.s32 $0x20;
	_ =	swait.ge [sflag:s8], $0x4000  }
0x17: {  	s15 =	sadd.s32 s1, s16;
	s12 =	sadd.s32 $0x800, s6;
	[sflag:s8] =	ssyncset.done $0x0  }
.LBB2_2:
0x18: {  	s14 =	sadd.s32 s14, s15;
	[sflag:s8] =	ssyncadd.s32 $0xFFFFC000  }
0x19: {  	s15 =	smov.u32 s13;
	s16 =	sadd.s32 $0x10, s13;
	s17 =	smov.u32 s12  }
0x1a: {  	[tilespmem:s2], [sflag:$0x2] =	stream.linear.gather [hbm4b:s14+s2], $0x80, $0x38;
	[tilespmem:$0x4080] =	vst v63  }
0x1b: {  	p0 =	sne.s32 s13, $0x3F0;
	_ =	swait.ge [sflag:s8], $0x80  }
0x1c: {  	[sflag:s8] =	ssyncset.done $0x0  }
0x1d: {  	[sflag:s8] =	ssyncadd.s32 $0xFFFFFF80  }
0x1e: {  	[tilespmem:s9], [sflag:$0x1] =	stream.indirect.gather [hbm4b:s4+s9], $0x80, s2, s9, $0xb8;
	[tilespmem:$0x4080] =	vst v63  }
0x1f: {  	_ =	swait.ge [sflag:s10], $0x4000  }
.Ltmp0:
0x20: {  	[sflag:s10] =	ssyncset.done $0x0;
	(pc) =	sbr.rel @p0 .LBB2_2-.Ltmp0, $4  }
0x21: {  	s12 =	sadd.s32 $0x800, s12;
	s13 =	sadd.s32 s15, s7;
	[sflag:s10] =	ssyncadd.s32 $0xFFFFC000  }
0x22: {  	[hbm4b:s17+s2] =	stream.linear.scatter [tilespmem:s9], [sflag:$0x2], $0x4000, $0x38;
	[tilespmem:$0x4080] =	vst v63  }
0x23: {  	s15 =	sand.u32 $0x70, s15;
	s14 =	sand.u32 $0x7F80, s13;
	_ =	swait.ge [sflag:s8], $0x4000  }
0x24: {  	s15 =	sadd.s32 s1, s15;
	s13 =	smov.u32 s16;
	[sflag:s8] =	ssyncset.done $0x0  }
0x25: {  	s13 =	sadd.s32 s14, s15;
	[sflag:s8] =	ssyncadd.s32 $0xFFFFC000  }
0x26: {  	[tilespmem:s2], [sflag:$0x2] =	stream.linear.gather [hbm4b:s13+s2], $0x80, $0x38;
	[tilespmem:$0x4080] =	vst v63  }
0x27: {  	_ =	swait.ge [sflag:s8], $0x80  }
0x28: {  	[sflag:s8] =	ssyncset.done $0x0  }
0x29: {  	[sflag:s8] =	ssyncadd.s32 $0xFFFFFF80  }
0x2a: {  	[tilespmem:s9], [sflag:$0x1] =	stream.indirect.gather [hbm4b:s4+s9], $0x80, s2, s9, $0xb8;
	[tilespmem:$0x4080] =	vst v63  }
0x2b: {  	s11 =	sadd.s32 $0x1, s11;
	_ =	swait.ge [sflag:s10], $0x4000  }
0x2c: {  	p0 =	sne.s32 s11, s5;
	[sflag:s10] =	ssyncset.done $0x0  }
.Ltmp1:
0x2d: {  	[sflag:s10] =	ssyncadd.s32 $0xFFFFC000;
	(pc) =	sbr.rel @p0 .LBB2_1-.Ltmp1, $4  }
0x2e: {  	[hbm4b:s12+s2] =	stream.linear.scatter [tilespmem:s9], [sflag:$0x2], $0x4000, $0x38;
	[tilespmem:$0x4080] =	vst v63  }
0x2f: {  	_ =	swait.ge [sflag:s8], $0x4000  }
0x30: {  	[sflag:s8] =	ssyncset.done $0x0  }
0x31: {  	[sflag:s8] =	ssyncadd.s32 $0xFFFFC000  }
0x32: {  	_ =	sfence.sel $0x180000  }
0x33: {  	[bflag:$0x0] =	sbarrier.arrive $0xFFFF  }
0x34: {  	p0 =	sne.s32 s3, $0x0;
	_ =	strace $0x9000004A  }
0x35: {  	s0 =	sadd.s32 @!p0 $0x100000, s0;
	[bflag:$0x2] =	sbarrier.arrive $0xFFFF  }
0x36: {  	[sflag:s0] =	ssyncadd.tile.s32 @!p0 $0x1;
	_ =	shalt  }
.Lfunc_end2:
_tile_overlayer_lowered:
.L_overlay_start_2:
0x37: {  	(tag) =	ssettag $0x2  }
0x38: {  	s0 =	rddreg [dreg:$0x0];
	s2 =	stileid.u32  }
0x39: {  	s1 =	rddreg [dreg:$0x1];
	p0 =	sne.s32 s2, $0x0  }
0x3a: {  	s3 =	rddreg [dreg:$0x2];
	[bflag:$0x3] =	sbarrier.arrive $0xFFFF;
	s2 =	simm.s32 @!p0 $0x1C02  }
0x3b: {  	[timem:s3], [sflag:s2] =	dma.local @!p0 [hbm:s0], s1  }
0x3c: {  	s0 =	simm.s32 @!p0 $0x2  }
0x3d: {  	_ =	swait.ge @!p0 [sflag:s0], s1  }
0x3e: {  	s1 =	ssub.s32 @!p0 $0x0, s1;
	[sflag:s0] =	ssyncset.done @!p0 $0x0  }
0x3f: {  	[sflag:s0] =	ssyncadd.s32 @!p0 s1  }
0x40: {  	[bflag:$0x3] =	sbarrier.arrive $0xFFFF  }
0x41: {  	_ =	shalt  }

// kernel: sparse-core-data-format-call.cloned.1.call-start
scs
called_computation_lowered:
.L_overlay_start_0:
0x0: {  	s1 =	sld [smem:$0x3FD9]  }
0x1: {  	s2 =	sld [smem:$0x3FFE];
	_ =	sdelay $0x1  }
0x2: {  	s3 =	srdreg.scid  }
0x3: {  	s0 =	sand.u32 $0x1, s3  }
0x4: {  	s17 =	sshll.u32 s0, $0xA;
	s1 =	sadd.s32 s2, s1  }
0x5: {  	s1 =	sadd.s32 s1, s17  }
0x6: {  	[smem:$0x3FB6] =	sst s1  }
0x7: {  	_ = 	snop  }
0x8: {  	(tm) =	ssettm $0x1  }
0x9: {  	s18 =	sld [smem:$0x3FFB];
	_ =	sdelay $0x3  }
0xa: {  	_ =	strace s18  }
0xb: {  	s1 =	sld [smem:$0x3FFC];
	_ =	sdelay $0x3  }
0xc: {  	_ =	strace s1  }
0xd: {  	s1 =	sld [smem:$0x3FFD];
	_ =	sdelay $0x3  }
0xe: {  	_ =	strace s1  }
0xf: {  	_ =	strace $0x8FFFFFFF  }
0x10: {  	s19 =	sld [smem:$0x3FDB];
	_ =	sdelay $0x1  }
0x11: {  	s20 =	simm.s32 $_scs_section_size  }
0x12: {  	s4 =	simm.s32 $_size__tile_overlayer_lowered;
	s5 =	simm.s32 $_tile_overlayer_lowered  }
0x13: {  	s23 =	simm.s32 $0x1BFF;
	s22 =	sshll.u32 s5, $0x1;
	s1 =	sadd.s32 s20, s19  }
0x14: {  	s6 =	simm.s32 $0x0;
	s21 =	sshll.u32 s4, $0x1;
	s4 =	sadd.s32 s22, s1  }
0x15: {  	[timem:s6], [sflag:s23] =	dma.local [hbm:s4], s21  }
0x16: {  	_ =	swait.ge [sflag:s23], s21  }
0x17: {  	s2 =	ssub.s32 $0x0, s21;
	[sflag:s23] =	ssyncset.done $0x0  }
0x18: {  	[sflag:s23] =	ssyncadd.s32 s2;
	_ =	sdelay $0x1  }
0x19: {  	s24 =	simm.s32 $0x1B8B  }
0x1a: {  	_ =	swait.ge [sflag:s24], $0x1  }
0x1b: {  	[sflag:s24] =	ssyncset.done $0x0  }
0x1c: {  	s26 =	simm.s32 $0x1B8E;
	s25 =	sld [smem:$0x3FFE];
	[sflag:s24] =	ssyncadd.s32 $0xFFFFFFFF  }
0x1d: {  	s27 =	simm.s32 $execute0_lowered;
	[smem:$0x3FD2] =	sst s26  }
0x1e: {  	s4 =	sshll.u32 s27, $0x1;
	_ =	strace $0x80000046;
	[dreg:$0x1] =	wrdreg $0xFFFFFFFF  }
0x1f: {  	s28 =	simm.s32 $_size_execute0_lowered;
	s1 =	sadd.s32 s1, s4;
	[dreg:$0x0] =	wrdreg $0x0  }
0x20: {  	s4 =	sshll.u32 s28, $0x1;
	[dreg:$0x2] =	wrdreg s1  }
0x21: {  	[dreg:$0x3] =	wrdreg s4  }
0x22: {  	[dreg:$0x4] =	wrdreg $0xC0  }
0x23: {  	_ =	task [dreg:s6], $0x5FFFF  }
0x24: {  	[dreg:$0x1] =	wrdreg $0xFFFFFFFF  }
0x25: {  	[dreg:$0x0] =	wrdreg $0x60  }
0x26: {  	[dreg:$0x2] =	wrdreg s25  }
0x27: {  	[dreg:$0x3] =	wrdreg $0x9  }
0x28: {  	_ =	task.clear_ibuf [dreg:s6], $0x4FFFF;
	_ =	strace $0x90000046  }
0x29: {  	s29 =	simm.s32 $0x9;
	_ =	strace $0x80000048  }
0x2a: {  	_ =	swait.ge [sflag:s29], $0x1  }
0x2b: {  	[sflag:s29] =	ssyncadd.s32 $0xFFFFFFFF  }
0x2c: {  	_ =	strace $0x90000048  }
0x2d: {  	_ =	sfence  }
0x2e: {  	s30 =	sld [smem:$0x0];
	_ =	sdelay $0x2  }
0x2f: {  	s31 =	sshll.u32 s3, $0xD;
	s3 =	sshrl.u32 s3, $0x2  }
0x30: {  	s2 =	sand.u32 $0x4000, s31;
	s1 =	sadd.s32 s3, s30  }
0x31: {  	s0 =	sor.u32 s2, s0;
	s1 =	sshll.u32 s1, $0x11  }
0x32: {  	s0 =	sor.u32 s1, s0  }
0x33: {  	s0 =	sadd.s32 $0x8F2B, s0  }
0x34: {  	[sflag:s0] =	ssyncadd.remote.s32 $0x1  }
0x35: {  	_ =	sfence.sel $0xFFFF  }
0x36: {  	[dreg:$0x0] =	wrdreg $0xFFFFFFFF;
	(pc) =	sbr.abs _section_cstart, $3  }
0x37: {  	[dreg:$0x1] =	wrdreg $0xFFFFFFFF  }
0x38: {  	_ =	task.clear_ibuf [dreg:s6], $0x2FFFF;
	_ =	strace $0x9FFFFFFF  }
0x39: {  	(tm) =	ssettm $0x7FFFFFFF  }
tec
execute0_lowered:
.L_overlay_start_1:
0x0: {  	(tag) =	ssettag $0x1  }
0x1: {  	s0 =	stileid.u32  }
0x2: {  	s1 =	srdreg.scid;
	s3 =	rddreg [dreg:$0x0];
	s7 =	simm.s32 $0x1  }
0x3: {  	s6 =	simm.s32 $0x1;
	s2 =	sshll.u32 s0, $0x4;
	s1 =	sshll.u32 s1, $0x8  }
0x4: {  	s31 =	simm.s32 $0x2;
	s16 =	simm.s32 $0x0;
	s1 =	sor.u32 s2, s1  }
0x5: {  	s9 =	simm.s32 $0x2000;
	s14 =	simm.s32 $0x0;
	s2 =	sand.u32 $0x180, s1  }
0x6: {  	s15 =	simm.s32 $0x0;
	s10 =	simm.s32 $0x0;
	s5 =	ssub.s32 $0x400, s2  }
0x7: {  	s13 =	simm.s32 $0x0;
	s1 =	rddreg [dreg:$0x1];
	s4 =	sand.u32 $0x180, s5  }
.Ltmp0:
0x8: {  	_ =	strace $0x80000047;
	p0 =	sne.s32 s4, $0x0;
	(pc) =	sbr.rel .LBB1_1-.Ltmp0, $4  }
0x9: {  	[sflag:s6] =	ssyncpa.u1 $0x0;
	s8 =	sshrl.u32 s5, $0x9;
	s7 =	simm.s32 @!p0 $0x0  }
0xa: {  	s11 =	smov.u32 s2;
	s5 =	sand.u32 $0x7, s0;
	s7 =	sadd.s32 s7, s8  }
0xb: {  	[sflag:s31] =	ssyncpa.u1 $0x0;
	s4 =	sadd.s32 $0x400000, s3;
	s7 =	sshll.u32 s7, $0x5  }
0xc: {  	s12 =	smov.u32 s5;
	p0 =	por $0x0, $0x0;
	s8 =	sor.u32 $0x1, s7  }
.LBB1_4:
0xd: {  	v5 =	vld [tilespmem:s20+$0xFFFFFFD0];
	[tilespmem:s19+$0x2040 ss:$0x81] =	vst.msk $0xffff, v1  }
0xe: {  	v58 =	vld [tilespmem:s20+$0xFFFFFFE0];
	[tilespmem:s19+$0x2850 ss:$0x81] =	vst.msk $0xffff, v2  }
0xf: {  	s21 =	sshra.s32 s21, $0x2;
	v59 =	vld [tilespmem:s20+$0xFFFFFFF0];
	[tilespmem:s19+$0x3060 ss:$0x81] =	vst.msk $0xffff, v3  }
0x10: {  	v60 =	vld [tilespmem:s20+$0x0];
	[tilespmem:s19+$0x0 ss:$0x81] =	vst.msk $0xffff, v0;
	s18 =	sadd.s32 s21, s18  }
0x11: {  	v61 =	vld [tilespmem:s20+$0x10];
	[tilespmem:s18+$0x3870 ss:$0x81] =	vst.msk $0xffff, v4  }
0x12: {  	v62 =	vld [tilespmem:s20+$0x20];
	s26 =	sshll.u32 s16, $0xA;
	s27 =	sshll.u32 s14, $0x3;
	[tilespmem:s18+$0x810 ss:$0x81] =	vst.msk $0xffff, v5  }
0x13: {  	v63 =	vld [tilespmem:s20+$0xFFFFFFC0];
	s29 =	sshll.u32 s16, $0x7;
	s30 =	sand.u32 $0x78, s14;
	s15 =	sshll.u32 s15, $0x13;
	[tilespmem:s18+$0x1020 ss:$0x81] =	vst.msk $0xffff, v58  }
0x14: {  	s19 =	sand.u32 $0x3FE000, s26;
	s28 =	sand.u32 $0x3FFC00, s27;
	s16 =	sand.u32 $0x380, s29;
	[tilespmem:s18+$0x1830 ss:$0x81] =	vst.msk $0xffff, v59  }
0x15: {  	s31 =	sand.u32 $0x7, s14;
	s19 =	sadd.s32 s28, s19;
	s16 =	sor.u32 s30, s16;
	[tilespmem:s18+$0x2040 ss:$0x81] =	vst.msk $0xffff, v60  }
0x16: {  	s15 =	sadd.s32 s4, s15;
	s19 =	sshrl.u32 s19, $0x3;
	s16 =	sshrl.u32 s16, $0x3;
	[tilespmem:s18+$0x2850 ss:$0x81] =	vst.msk $0xffff, v61  }
0x17: {  	s14 =	sshll.u32 s31, $0x12;
	s19 =	sand.u32 $0x7FF80, s19;
	s15 =	sadd.s32 s16, s15;
	[tilespmem:s18+$0x3060 ss:$0x81] =	vst.msk $0xffff, v62  }
0x18: {  	s14 =	sor.u32 $0x400, s14;
	[tilespmem:s18+$0x0 ss:$0x81] =	vst.msk $0xffff, v63;
	s15 =	sadd.s32 s19, s15  }
0x19: {  	[hbm4b:s15+s14] =	stream.strided.scatter [tilespmem:s17], [sflag:$0x2], $0x4000, s9, s14, $0x20;
	[tilespmem:$0x10100] =	vst v63  }
.LBB1_5:
0x1a: {  	s17 =	sadd.s32 $0x80, s10  }
0x1b: {  	s14 =	sadd.s32 $0x200, s11;
	s18 =	smov.u32 s11;
	p2 =	sgt.s32 s17, $0xFFF  }
0x1c: {  	s18 =	smov.u32 @p2 s14  }
0x1d: {  	s20 =	smov.u32 s12;
	s14 =	sadd.s32 $0x8, s12;
	p3 =	sgt.s32 s18, $0x3FF  }
0x1e: {  	s20 =	smov.u32 @p3 s14  }
0x1f: {  	s17 =	simm.s32 @p2 $0x0;
	p2 =	sgt.s32 s20, $0x7  }
0x20: {  	p1 =	slt.u32 s13, $0x2;
	s20 =	smov.u32 @p2 s5;
	p2 =	sne.s32 s13, s8  }
.Ltmp1:
0x21: {  	s19 =	simm.s32 @!p1 $0x2;
	(pc) =	sbr.rel @!p2 .LBB1_6-.Ltmp1, $4  }
0x22: {  	s16 =	smov.u32 s10;
	s15 =	smov.u32 s12;
	_ =	swait.ge @!p1 [sflag:s19], $0x4000  }
0x23: {  	p0 =	por !p0, !p0;
	[sflag:s19] =	ssyncset.done @!p1 $0x0;
	s10 =	smov.u32 s17  }
0x24: {  	s18 =	smov.u32 @p3 s2;
	s14 =	smov.u32 s11;
	[sflag:s19] =	ssyncadd.s32 @!p1 $0xFFFFC000  }
0x25: {  	s11 =	smov.u32 s18;
	s13 =	sadd.s32 $0x1, s13;
	s12 =	smov.u32 s20  }
.LBB1_1:
0x26: {  	p1 =	sge.u32 s13, s7;
	s31 =	sadd.s32 $0xFFFFFFFF, s13  }
0x27: {  	s17 =	sxor.u32 @!p1 $0xFFFFFFFF, s13;
	s18 =	sand.u32 @!p1 $0x78, s10;
	s19 =	sshll.u32 @!p1 s11, $0xC  }
0x28: {  	s20 =	sshll.u32 @!p1 s11, $0x7;
	s21 =	sshll.u32 @!p1 s10, $0x3;
	s17 =	sshll.u32 @!p1 s17, $0xE  }
0x29: {  	s19 =	sand.u32 @!p1 $0x3F8000, s19;
	s20 =	sand.u32 @!p1 $0x380, s20;
	s17 =	sand.u32 @!p1 $0x4000, s17  }
0x2a: {  	s19 =	sadd.s32 @!p1 s19, s21;
	s21 =	sand.u32 @!p1 $0xC00, s21;
	s18 =	sor.u32 @!p1 s20, s18  }
0x2b: {  	s20 =	sshll.u32 @!p1 s12, $0x13;
	s18 =	sor.u32 @!p1 s21, s18;
	s19 =	sshrl.u32 @!p1 s19, $0x3  }
0x2c: {  	s20 =	sadd.s32 @!p1 s3, s20;
	s21 =	sand.u32 @!p1 $0x7, s10;
	s19 =	sand.u32 @!p1 $0x7FE00, s19  }
0x2d: {  	s18 =	sshrl.u32 @!p1 s18, $0x3;
	s19 =	sadd.s32 @!p1 s19, s20;
	s20 =	sshll.u32 @!p1 s21, $0x12  }
0x2e: {  	s18 =	sadd.s32 @!p1 s18, s19;
	s19 =	sor.u32 @!p1 $0x400, s20;
	s20 =	simm.s32 @!p1 $0x8000  }
0x2f: {  	[tilespmem:s17], [sflag:$0x1] =	stream.strided.gather @!p1 [hbm4b:s18+s19], $0x4000, s20, s19, $0x38;
	[tilespmem:$0x10100] =	vst v63  }
0x30: {  	p1 =	sge.u32 s31, s7  }
.Ltmp2:
0x31: {  	_ = 	snop;
	(pc) =	sbr.rel @p1 .LBB1_5-.Ltmp2, $1  }
0x32: {  	_ =	sdelay $0x3  }
0x33: {  	s17 =	simm.s32 $0x1  }
0x34: {  	_ =	swait.ge [sflag:s6], $0x4000;
	s17 =	simm.s32 @!p0 $0x0  }
0x35: {  	[sflag:s6] =	ssyncset.done $0x0;
	s18 =	sshll.u32 s17, $0xE  }
0x36: {  	[sflag:s6] =	ssyncadd.s32 $0xFFFFC000;
	s20 =	sor.u32 $0x40, s18  }
0x37: {  	s17 =	smul.u32 $0x10200, s17;
	v0 =	vld [tilespmem:s20+$0x30]  }
0x38: {  	v3 =	vld [tilespmem:s20+$0xFFFFFFD0]  }
0x39: {  	s17 =	sshrl.u32 s17, $0x2;
	v4 =	vld [tilespmem:s20+$0xFFFFFFE0]  }
0x3a: {  	v5 =	vld [tilespmem:s20+$0xFFFFFFF0];
	s18 =	sor.u32 $0x8000, s17  }
0x3b: {  	s31 =	sand.u32 $0x1, s13;
	v1 =	vld [tilespmem:s20+$0x0];
	s19 =	sadd.s32 $0x0, s18  }
0x3c: {  	v2 =	vld [tilespmem:s20+$0x10];
	s17 =	smul.u32 $0x10200, s31;
	[tilespmem:s19+$0x3870 ss:$0x81] =	vst.msk $0xffff, v0  }
0x3d: {  	[tilespmem:s19+$0x810 ss:$0x81] =	vst.msk $0xffff, v3;
	v3 =	vld [tilespmem:s20+$0x20]  }
0x3e: {  	s17 =	sshrl.u32 s17, $0x2;
	v0 =	vld [tilespmem:s20+$0xFFFFFFC0];
	[tilespmem:s19+$0x1020 ss:$0x81] =	vst.msk $0xffff, v4;
	s20 =	sadd.s32 $0x80, s20  }
0x3f: {  	s21 =	simm.s32 $0x4;
	s22 =	simm.s32 $0x8;
	s17 =	sor.u32 $0x8000, s17;
	[tilespmem:s19+$0x1830 ss:$0x81] =	vst.msk $0xffff, v5;
	v4 =	vld [tilespmem:s20+$0x30]  }
.LBB1_3:
0x40: {  	p1 =	sne.s32 s22, $0x1FC;
	v5 =	vld [tilespmem:s20+$0xFFFFFFD0];
	[tilespmem:s19+$0x2040 ss:$0x81] =	vst.msk $0xffff, v1  }
0x41: {  	v6 =	vld [tilespmem:s20+$0xFFFFFFE0];
	[tilespmem:s19+$0x2850 ss:$0x81] =	vst.msk $0xffff, v2  }
0x42: {  	s23 =	sshra.s32 s21, $0x2;
	s21 =	smov.u32 s22;
	v7 =	vld [tilespmem:s20+$0xFFFFFFF0];
	[tilespmem:s19+$0x3060 ss:$0x81] =	vst.msk $0xffff, v3  }
.Ltmp3:
0x43: {  	v1 =	vld [tilespmem:s20+$0x0];
	[tilespmem:s19+$0x0 ss:$0x81] =	vst.msk $0xffff, v0;
	s19 =	sadd.s32 s23, s18;
	(pc) =	sbr.rel @p1 .LBB1_3-.Ltmp3, $4  }
0x44: {  	v2 =	vld [tilespmem:s20+$0x10];
	[tilespmem:s19+$0x3870 ss:$0x81] =	vst.msk $0xffff, v4  }
0x45: {  	[tilespmem:s19+$0x810 ss:$0x81] =	vst.msk $0xffff, v5;
	v3 =	vld [tilespmem:s20+$0x20]  }
0x46: {  	v0 =	vld [tilespmem:s20+$0xFFFFFFC0];
	[tilespmem:s19+$0x1020 ss:$0x81] =	vst.msk $0xffff, v6;
	s20 =	sadd.s32 $0x80, s20  }
0x47: {  	s22 =	sadd.s32 $0x4, s22;
	v4 =	vld [tilespmem:s20+$0x30];
	[tilespmem:s19+$0x1830 ss:$0x81] =	vst.msk $0xffff, v7  }
.Ltmp4:
0x48: {  	_ = 	snop;
	(pc) =	sbr.rel .LBB1_4-.Ltmp4, $1  }
0x49: {  	_ =	sdelay $0x3  }
.LBB1_6:
0x4a: {  	_ =	sfence.sel $0x180000  }
0x4b: {  	s2 =	simm.s32 $0x1;
	[bflag:$0x0] =	sbarrier.arrive $0xFFFF  }
0x4c: {  	s31 =	simm.s32 $0x2;
	[sflag:s2] =	ssyncpa.u1 $0x1  }
0x4d: {  	[sflag:s31] =	ssyncpa.u1 $0x1  }
0x4e: {  	p0 =	sne.s32 s0, $0x0;
	_ =	strace $0x90000047  }
0x4f: {  	s0 =	sadd.s32 @!p0 $0x100000, s1;
	[bflag:$0x2] =	sbarrier.arrive $0xFFFF  }
0x50: {  	[sflag:s0] =	ssyncadd.tile.s32 @!p0 $0x1;
	_ =	shalt  }
.Lfunc_end1:
_tile_overlayer_lowered:
.L_overlay_start_2:
0x51: {  	(tag) =	ssettag $0x2  }
0x52: {  	s0 =	rddreg [dreg:$0x0];
	s2 =	stileid.u32  }
0x53: {  	s1 =	rddreg [dreg:$0x1];
	p0 =	sne.s32 s2, $0x0  }
0x54: {  	s3 =	rddreg [dreg:$0x2];
	[bflag:$0x3] =	sbarrier.arrive $0xFFFF;
	s2 =	simm.s32 @!p0 $0x1C01  }
0x55: {  	[timem:s3], [sflag:s2] =	dma.local @!p0 [hbm:s0], s1  }
0x56: {  	s0 =	simm.s32 @!p0 $0x1  }
0x57: {  	_ =	swait.ge @!p0 [sflag:s0], s1  }
0x58: {  	s1 =	ssub.s32 @!p0 $0x0, s1;
	[sflag:s0] =	ssyncset.done @!p0 $0x0  }
0x59: {  	[sflag:s0] =	ssyncadd.s32 @!p0 s1  }
0x5a: {  	[bflag:$0x3] =	sbarrier.arrive $0xFFFF  }
0x5b: {  	_ =	shalt  }

</sc_bundles>
